<compile_context>
chip_gen: v7x
topology: tpu7x:2x2x1
jax: 0.10.2.dev20260603
libtpu: 0.0.44.dev20260713+nightly
codegen_flags: <defaults>
</compile_context>

<pallas_src>
import functools

import jax
import jax.numpy as jnp
from jax import lax
from jax.experimental import pallas as pl
from jax.experimental.pallas import tpu as pltpu
from jax.experimental.pallas import tpu_sc as plsc

N = 10000
E = 320000
D = 128
NEG_SLOPE = 0.01

NC = 2
NS = 16
NW = NC * NS
EPW = E // NW
C = 80
NCH = EPW // C
GRP = 5
NG = NCH // GRP
RPS = 624
RTAIL = N - NS * RPS
LG = D // 16


def _sc_kernel():
    mesh = plsc.VectorSubcoreMesh(core_axis_name="c", subcore_axis_name="s")

    @functools.partial(
        pl.kernel,
        out_type=jax.ShapeDtypeStruct((NC, N, D), jnp.float32),
        mesh=mesh,
        scratch_types=[
            pltpu.VMEM((2 * GRP, C), jnp.int32),
            pltpu.VMEM((2 * GRP, C), jnp.int32),
            pltpu.VMEM((2 * GRP, C), jnp.float32),
            pltpu.VMEM((C,), jnp.float32),
            pltpu.VMEM((3, C), jnp.float32),
            pltpu.VMEM((3, C, D), jnp.float32),
            pltpu.VMEM_SHARED((N, D), jnp.float32),
            pltpu.SemaphoreType.DMA,
            pltpu.SemaphoreType.DMA,
            pltpu.SemaphoreType.DMA,
        ],
        compiler_params=pltpu.CompilerParams(needs_layout_passes=False),
    )
    def k(x_hbm, nn_hbm, src_hbm, dst_hbm, en_hbm, out_hbm,
          src_v, dst_v, en_v, scale_v, nns_v, rows_v, h_shared,
          gsem, ssem, nsem):
        cid = lax.axis_index("c")
        sid = lax.axis_index("s")
        wid = cid * NS + sid

        zrow = jnp.zeros((16,), jnp.float32)

        def zero_body(i, _):
            rows_v[0, i // LG, pl.ds((i % LG) * 16, 16)] = zrow
            return 0

        lax.fori_loop(0, C * LG, zero_body, 0)
        for t in range(RPS // C):
            pltpu.sync_copy(rows_v.at[0], h_shared.at[pl.ds(sid * RPS + t * C, C)])
        rem = RPS - (RPS // C) * C
        pltpu.sync_copy(rows_v.at[0, pl.ds(0, rem)],
                        h_shared.at[pl.ds(sid * RPS + (RPS // C) * C, rem)])

        @pl.when(sid == NS - 1)
        def _zero_tail():
            pltpu.sync_copy(rows_v.at[0, pl.ds(0, RTAIL)],
                            h_shared.at[pl.ds(NS * RPS, RTAIL)])

        plsc.subcore_barrier()

        def stage_group(t, half):
            sl = pl.ds(half * GRP, GRP)
            pltpu.sync_copy(src_hbm.at[wid, t], src_v.at[sl])
            pltpu.sync_copy(dst_hbm.at[wid, t], dst_v.at[sl])
            pltpu.sync_copy(en_hbm.at[wid, t], en_v.at[sl])

        def gather(row, b):
            pltpu.async_copy(x_hbm.at[src_v.at[row]], rows_v.at[b], gsem)
            pltpu.async_copy(nn_hbm.at[src_v.at[row]], nns_v.at[b], nsem)

        stage_group(0, 0)
        gather(0, 0)

        def loop_body(kk, _):
            b = lax.rem(kk, 3)

            pltpu.make_async_copy(x_hbm.at[pl.ds(0, C)],
                                  rows_v.at[b], gsem).wait()
            pltpu.make_async_copy(nn_hbm.at[pl.ds(0, C)],
                                  nns_v.at[b], nsem).wait()

            @pl.when(kk + 1 < NCH)
            def _gather_next():
                gather(lax.rem(kk + 1, 2 * GRP), lax.rem(kk + 1, 3))

            def scale_body(i, _):
                sl = pl.ds(i * 16, 16)
                scale_v[sl] = nns_v[b, sl] * en_v[lax.rem(kk, 2 * GRP), sl]
                return 0

            lax.fori_loop(0, C // 16, scale_body, 0)

            @plsc.parallel_loop(0, C, step=1, unroll=8)
            def edge_body(e):
                bv = plsc.load_gather(scale_v, [jnp.full((16,), e, jnp.int32)])
                for j in range(LG):
                    rows_v[b, e, pl.ds(j * 16, 16)] = (
                        rows_v[b, e, pl.ds(j * 16, 16)] * bv)

            @pl.when(kk >= 1)
            def _drain_prev_scatter():
                pltpu.make_async_copy(rows_v.at[lax.rem(kk + 2, 3)],
                                      h_shared.at[pl.ds(0, C)], ssem).wait()

            pltpu.async_copy(rows_v.at[b],
                             h_shared.at[dst_v.at[lax.rem(kk, 2 * GRP)]],
                             ssem, add=True)

            @pl.when(jnp.logical_and(lax.rem(kk, GRP) == GRP - 2,
                                     kk + 2 < NCH))
            def _stage_next():
                t1 = kk // GRP + 1
                stage_group(t1, lax.rem(t1, 2))

            return 0

        lax.fori_loop(0, NCH, loop_body, 0)

        pltpu.make_async_copy(rows_v.at[lax.rem(NCH - 1, 3)],
                              h_shared.at[pl.ds(0, C)], ssem).wait()

        plsc.subcore_barrier()

        pltpu.sync_copy(h_shared.at[pl.ds(sid * RPS, RPS)],
                        out_hbm.at[cid, pl.ds(sid * RPS, RPS)])

        @pl.when(sid == NS - 1)
        def _write_tail():
            pltpu.sync_copy(h_shared.at[pl.ds(NS * RPS, RTAIL)],
                            out_hbm.at[cid, pl.ds(NS * RPS, RTAIL)])

    return k


_sc_run = _sc_kernel()


def _tc_finish_body(x_ref, p_ref, nn_ref, w_ref, b_ref, o_ref):
    xmax = jnp.max(x_ref[...], axis=0, keepdims=True)
    s = (p_ref[0] + p_ref[1]) * nn_ref[...]
    hmax = jnp.max(s, axis=0, keepdims=True)
    r = 0.5 * (xmax + hmax)
    out = lax.dot_general(r, w_ref[...], (((1,), (1,)), ((), ())),
                          preferred_element_type=jnp.float32) + b_ref[...]
    o_ref[...] = jnp.where(out > 0, out, NEG_SLOPE * out)


_tc_finish = pl.pallas_call(
    _tc_finish_body,
    out_shape=jax.ShapeDtypeStruct((1, D), jnp.float32),
)


def kernel(x, node_norm, edge_norm, W, b, edge_index):
    nn2 = node_norm.reshape(N, 1)
    src = edge_index[0].reshape(NW, NG, GRP, C)
    dst = edge_index[1].reshape(NW, NG, GRP, C)
    en = edge_norm.reshape(NW, NG, GRP, C)
    partials = _sc_run(x, node_norm, src, dst, en)
    return _tc_finish(x, partials, nn2, W, b.reshape(1, D))

# --- scband reference (transcript-rebuilt; emitter-appended) ---
"""Pipeline reference for scband-model-58909771432742 (READ-ONLY COPY).

The authoritative reference and input builder live on the scoring server;
editing this copy changes nothing except your own understanding.
"""

import jax, jax.numpy as jnp
import numpy as np

N = 10000
E = 320000
D_IN = 128
D_OUT = 128
NUM_LAYERS = 1
NEG_SLOPE = 0.01


def setup_inputs(seed: int = 0) -> dict:
    key = jax.random.key(seed)
    ks = jax.random.split(key, 6)
    x = jax.random.normal(ks[0], (N, D_IN), dtype=jnp.float32)
    node_norm = jax.random.uniform(ks[1], (N,), dtype=jnp.float32)
    edge_norm = jax.random.uniform(ks[2], (E,), dtype=jnp.float32)
    W = jax.random.normal(ks[3], (D_OUT, D_IN), dtype=jnp.float32) * 0.05
    b = jnp.zeros((D_OUT,), dtype=jnp.float32)
    edge_index = jax.random.randint(ks[4], (2, E), 0, N, dtype=jnp.int32)
    return {"x": x, "node_norm": node_norm, "edge_norm": edge_norm, "W": W, "b": b, "edge_index": edge_index}


def reference(x, node_norm, edge_norm, W, b, edge_index):
    # HypergraphLayer.forward on a single DGLGraph:
    #   g.ndata['h'] = x; out = [readout_nodes(g, 'h', op='max')]
    #   for each layer: m_e = h[src] * (norm_src * norm_dst * norm_e); h = scatter_sum(m, dst)
    #                   out.append(readout max)
    #   out = stack(out).mean(0); out = LeakyReLU(Linear(out))
    src = edge_index[0]
    dst = edge_index[1]
    h = x
    outs = [jnp.max(h, axis=0, keepdims=True)]  # single-graph readout -> [1, D]
    for _ in range(NUM_LAYERS):
        norm = node_norm[src] * node_norm[dst] * edge_norm  # [E]
        m = h[src] * norm[:, None]                          # gather + scale, [E, D]
        h = jax.ops.segment_sum(m, dst, num_segments=N)     # scatter-add, [N, D]
        outs.append(jnp.max(h, axis=0, keepdims=True))
    out = jnp.mean(jnp.stack(outs, axis=0), axis=0)         # [1, D_IN]
    out = out @ W.T + b                                     # Linear(in_dim, out_dim)
    out = jnp.where(out > 0, out, NEG_SLOPE * out)          # LeakyReLU
    return out

if __name__ == "__main__":
    import jax
    _d = setup_inputs()
    print(jax.jit(kernel)(*tuple(_d.values())))

</pallas_src>

<mosaic_0001>
#map = affine_map<(d0, d1) -> (0, 0)>
#map1 = affine_map<(d0, d1) -> (0)>
#map2 = affine_map<(d0, d1) -> (0, 0, 0, 0)>
#map3 = affine_map<(d0, d1) -> (0, 0, 0)>
module attributes {stable_mosaic.version = 14 : i64} {
  func.func @k(%arg0: i32, %arg1: i32, %arg2: memref<10000x128xf32, #tpu.memory_space<hbm>>, %arg3: memref<10000xf32, #tpu.memory_space<hbm>>, %arg4: memref<32x25x5x80xi32, #tpu.memory_space<hbm>>, %arg5: memref<32x25x5x80xi32, #tpu.memory_space<hbm>>, %arg6: memref<32x25x5x80xf32, #tpu.memory_space<hbm>>, %arg7: memref<2x10000x128xf32, #tpu.memory_space<hbm>>, %arg8: memref<10x80xi32, #tpu.memory_space<vmem>>, %arg9: memref<10x80xi32, #tpu.memory_space<vmem>>, %arg10: memref<10x80xf32, #tpu.memory_space<vmem>>, %arg11: memref<80xf32, #tpu.memory_space<vmem>>, %arg12: memref<3x80xf32, #tpu.memory_space<vmem>>, %arg13: memref<3x80x128xf32, #tpu.memory_space<vmem>>, %arg14: memref<10000x128xf32, #tpu.memory_space<vmem_shared>>, %arg15: memref<!tpu.dma_semaphore, #tpu.memory_space<semaphore_mem>>, %arg16: memref<!tpu.dma_semaphore, #tpu.memory_space<semaphore_mem>>, %arg17: memref<!tpu.dma_semaphore, #tpu.memory_space<semaphore_mem>>) attributes {dimension_semantics = [#tpu.dimension_semantics<core_parallel>, #tpu.dimension_semantics<subcore_parallel>], iteration_bounds = array<i64: 2, 16>, scalar_prefetch = 0 : i64, scratch_operands = 10 : i64, tpu.core_type = #tpu.core_type<sc_vector_subcore>, window_params = [{transform_indices = #map}, {transform_indices = #map1}, {transform_indices = #map2}, {transform_indices = #map2}, {transform_indices = #map2}, {transform_indices = #map3}]} {
    %mul3A = arith.constant 16 : i32
    %mul3A_0 = arith.muli %arg0, %mul3A : i32
    %add3A = arith.addi %mul3A_0, %arg1 : i32
    %broadcast_in_dim3A = arith.constant 0.000000e+00 : f32
    %broadcast_in_dim3A_1 = vector.broadcast %broadcast_in_dim3A : f32 to vector<16xf32>
    %scan3A = arith.constant 0 : i32
    %scan3A_2 = arith.constant 0 : i32
    %scan3A_3 = arith.constant 640 : i32
    %scan3A_4 = arith.addi %scan3A_2, %scan3A_3 : i32
    %scan3A_5 = arith.constant 1 : i32
    %scan3A_6 = scf.for %scan3A_105 = %scan3A_2 to %scan3A_4 step %scan3A_5 iter_args(%scan3A_106 = %scan3A) -> (i32)  : i32 {
      %jit3A = arith.constant 8 : i32
      %div3A = arith.divsi %scan3A_105, %jit3A : i32
      %sign3A = arith.constant 0 : i32
      %sign3A_107 = arith.cmpi sgt, %scan3A_105, %sign3A : i32
      %sign3A_108 = arith.extui %sign3A_107 : i1 to i32
      %sign3A_109 = arith.constant 0 : i32
      %sign3A_110 = arith.cmpi slt, %scan3A_105, %sign3A_109 : i32
      %sign3A_111 = arith.extui %sign3A_110 : i1 to i32
      %sign3A_112 = arith.subi %sign3A_108, %sign3A_111 : i32
      %sign3A_113 = arith.constant 0 : i32
      %sign3A_114 = arith.cmpi sgt, %jit3A, %sign3A_113 : i32
      %sign3A_115 = arith.extui %sign3A_114 : i1 to i32
      %sign3A_116 = arith.constant 0 : i32
      %sign3A_117 = arith.cmpi slt, %jit3A, %sign3A_116 : i32
      %sign3A_118 = arith.extui %sign3A_117 : i1 to i32
      %sign3A_119 = arith.subi %sign3A_115, %sign3A_118 : i32
      %ne3A = arith.cmpi ne, %sign3A_112, %sign3A_119 : i32
      %rem3A_120 = arith.remsi %scan3A_105, %jit3A : i32
      %ne3A_121 = arith.constant 0 : i32
      %ne3A_122 = arith.cmpi ne, %rem3A_120, %ne3A_121 : i32
      %and3A = arith.andi %ne3A, %ne3A_122 : i1
      %sub3A = arith.constant 1 : i32
      %sub3A_123 = arith.subi %div3A, %sub3A : i32
      %select_n3A = arith.select %and3A, %sub3A_123, %div3A : i32
      %jit3A_124 = arith.constant 8 : i32
      %eq3A_125 = arith.constant 0 : i32
      %eq3A_126 = arith.cmpi eq, %jit3A_124, %eq3A_125 : i32
      %jit3A_127 = arith.constant 1 : i32
      %select_n3A_128 = arith.select %eq3A_126, %jit3A_127, %jit3A_124 : i32
      %rem3A_129 = arith.remsi %scan3A_105, %select_n3A_128 : i32
      %ne3A_130 = arith.constant 0 : i32
      %ne3A_131 = arith.cmpi ne, %rem3A_129, %ne3A_130 : i32
      %lt3A = arith.constant 0 : i32
      %lt3A_132 = arith.cmpi slt, %rem3A_129, %lt3A : i32
      %lt3A_133 = arith.constant 0 : i32
      %lt3A_134 = arith.cmpi slt, %select_n3A_128, %lt3A_133 : i32
      %ne3A_135 = arith.xori %lt3A_132, %lt3A_134 : i1
      %and3A_136 = arith.andi %ne3A_135, %ne3A_131 : i1
      %add3A_137 = arith.addi %rem3A_129, %select_n3A_128 : i32
      %select_n3A_138 = arith.select %and3A_136, %add3A_137, %rem3A_129 : i32
      %mul3A_139 = arith.constant 16 : i32
      %mul3A_140 = arith.muli %select_n3A_138, %mul3A_139 : i32
      %swap3A = arith.constant 0 : i32
      %swap3A_141 = arith.index_cast %swap3A : i32 to index
      %swap3A_142 = arith.index_cast %select_n3A : i32 to index
      %swap3A_143 = arith.index_cast %mul3A_140 : i32 to index
      %swap3A_144 = tpu.vector_load %arg13[%swap3A_141, %swap3A_142, %swap3A_143] {strides = array<i32>} : memref<3x80x128xf32, #tpu.memory_space<vmem>>, vector<16xf32>,
      tpu.vector_store %arg13[%swap3A_141, %swap3A_142, %swap3A_143], %broadcast_in_dim3A_1 {strides = array<i32>} : memref<3x80x128xf32, #tpu.memory_space<vmem>>, vector<16xf32>,
      %scan3A_145 = arith.constant 0 : i32
      scf.yield %scan3A_145 : i32
    }
    %scan3A_7 = arith.constant 640 : i32
    %mul3A_8 = arith.constant 624 : i32
    %mul3A_9 = arith.muli %arg1, %mul3A_8 : i32
    %add3A_10 = arith.constant 0 : i32
    %add3A_11 = arith.addi %mul3A_9, %add3A_10 : i32
    %run_scoped3A = arith.constant 0 : i32
    "tpu.region"() ({
      %run_scoped3A_105 = tpu.sem_alloc : memref<!tpu.dma_semaphore, #tpu.memory_space<semaphore_mem>>
      %dma_start3A_106 = arith.constant 0 : i32
      %dma_start3A_107 = arith.constant 0 : i32
      %dma_start3A_108 = tpu.memref_slice %arg13[%run_scoped3A, %dma_start3A_106, %dma_start3A_107] : memref<3x80x128xf32, #tpu.memory_space<vmem>> -> memref<1x80x128xf32, #tpu.memory_space<vmem>>
      %dma_start3A_109 = tpu.memref_squeeze %dma_start3A_108 : memref<1x80x128xf32, #tpu.memory_space<vmem>> -> memref<80x128xf32, #tpu.memory_space<vmem>>
      %dma_start3A_110 = arith.constant 0 : i32
      %dma_start3A_111 = tpu.memref_slice %arg14[%add3A_11, %dma_start3A_110] : memref<10000x128xf32, #tpu.memory_space<vmem_shared>> -> memref<80x128xf32, #tpu.memory_space<vmem_shared>>
      %dma_start3A_112 = arith.constant 0 : i32
      %dma_start3A_113 = tpu.memref_slice %arg14[%add3A_11, %dma_start3A_112] : memref<10000x128xf32, #tpu.memory_space<vmem_shared>> -> memref<80x128xf32, #tpu.memory_space<vmem_shared>>
      %dma_start3A_114 = arith.constant 0 : i32
      %dma_start3A_115 = arith.constant 0 : i32
      %dma_start3A_116 = tpu.memref_slice %arg13[%run_scoped3A, %dma_start3A_114, %dma_start3A_115] : memref<3x80x128xf32, #tpu.memory_space<vmem>> -> memref<1x80x128xf32, #tpu.memory_space<vmem>>
      %dma_start3A_117 = tpu.memref_squeeze %dma_start3A_116 : memref<1x80x128xf32, #tpu.memory_space<vmem>> -> memref<80x128xf32, #tpu.memory_space<vmem>>
      tpu.enqueue_dma source(%dma_start3A_117 : memref<80x128xf32, #tpu.memory_space<vmem>>) target(%dma_start3A_113 : memref<80x128xf32, #tpu.memory_space<vmem_shared>>) target_semaphore(%run_scoped3A_105 : memref<!tpu.dma_semaphore, #tpu.memory_space<semaphore_mem>>)
      %dma_wait3A_118 = arith.constant 0 : i32
      %dma_wait3A_119 = arith.constant 0 : i32
      %dma_wait3A_120 = tpu.memref_slice %arg13[%run_scoped3A, %dma_wait3A_118, %dma_wait3A_119] : memref<3x80x128xf32, #tpu.memory_space<vmem>> -> memref<1x80x128xf32, #tpu.memory_space<vmem>>
      %dma_wait3A_121 = tpu.memref_squeeze %dma_wait3A_120 : memref<1x80x128xf32, #tpu.memory_space<vmem>> -> memref<80x128xf32, #tpu.memory_space<vmem>>
      %dma_wait3A_122 = arith.constant 0 : i32
      %dma_wait3A_123 = tpu.memref_slice %arg14[%add3A_11, %dma_wait3A_122] : memref<10000x128xf32, #tpu.memory_space<vmem_shared>> -> memref<80x128xf32, #tpu.memory_space<vmem_shared>>
      %dma_wait3A_124 = arith.constant 0 : i32
      %dma_wait3A_125 = tpu.memref_slice %arg14[%add3A_11, %dma_wait3A_124] : memref<10000x128xf32, #tpu.memory_space<vmem_shared>> -> memref<80x128xf32, #tpu.memory_space<vmem_shared>>
      %dma_wait3A_126 = arith.constant 0 : i32
      %dma_wait3A_127 = arith.constant 0 : i32
      %dma_wait3A_128 = tpu.memref_slice %arg13[%run_scoped3A, %dma_wait3A_126, %dma_wait3A_127] : memref<3x80x128xf32, #tpu.memory_space<vmem>> -> memref<1x80x128xf32, #tpu.memory_space<vmem>>
      %dma_wait3A_129 = tpu.memref_squeeze %dma_wait3A_128 : memref<1x80x128xf32, #tpu.memory_space<vmem>> -> memref<80x128xf32, #tpu.memory_space<vmem>>
      tpu.wait_dma2 semaphore(%run_scoped3A_105 : memref<!tpu.dma_semaphore, #tpu.memory_space<semaphore_mem>>) src(%dma_wait3A_129 : memref<80x128xf32, #tpu.memory_space<vmem>>) dst(%dma_wait3A_125 : memref<80x128xf32, #tpu.memory_space<vmem_shared>>)
      tpu.yield
    }) : () -> ()
    %mul3A_12 = arith.constant 624 : i32
    %mul3A_13 = arith.muli %arg1, %mul3A_12 : i32
    %add3A_14 = arith.constant 80 : i32
    %add3A_15 = arith.addi %mul3A_13, %add3A_14 : i32
    %run_scoped3A_16 = arith.constant 0 : i32
    "tpu.region"() ({
      %run_scoped3A_105 = tpu.sem_alloc : memref<!tpu.dma_semaphore, #tpu.memory_space<semaphore_mem>>
      %dma_start3A_106 = arith.constant 0 : i32
      %dma_start3A_107 = arith.constant 0 : i32
      %dma_start3A_108 = tpu.memref_slice %arg13[%run_scoped3A_16, %dma_start3A_106, %dma_start3A_107] : memref<3x80x128xf32, #tpu.memory_space<vmem>> -> memref<1x80x128xf32, #tpu.memory_space<vmem>>
      %dma_start3A_109 = tpu.memref_squeeze %dma_start3A_108 : memref<1x80x128xf32, #tpu.memory_space<vmem>> -> memref<80x128xf32, #tpu.memory_space<vmem>>
      %dma_start3A_110 = arith.constant 0 : i32
      %dma_start3A_111 = tpu.memref_slice %arg14[%add3A_15, %dma_start3A_110] : memref<10000x128xf32, #tpu.memory_space<vmem_shared>> -> memref<80x128xf32, #tpu.memory_space<vmem_shared>>
      %dma_start3A_112 = arith.constant 0 : i32
      %dma_start3A_113 = tpu.memref_slice %arg14[%add3A_15, %dma_start3A_112] : memref<10000x128xf32, #tpu.memory_space<vmem_shared>> -> memref<80x128xf32, #tpu.memory_space<vmem_shared>>
      %dma_start3A_114 = arith.constant 0 : i32
      %dma_start3A_115 = arith.constant 0 : i32
      %dma_start3A_116 = tpu.memref_slice %arg13[%run_scoped3A_16, %dma_start3A_114, %dma_start3A_115] : memref<3x80x128xf32, #tpu.memory_space<vmem>> -> memref<1x80x128xf32, #tpu.memory_space<vmem>>
      %dma_start3A_117 = tpu.memref_squeeze %dma_start3A_116 : memref<1x80x128xf32, #tpu.memory_space<vmem>> -> memref<80x128xf32, #tpu.memory_space<vmem>>
      tpu.enqueue_dma source(%dma_start3A_117 : memref<80x128xf32, #tpu.memory_space<vmem>>) target(%dma_start3A_113 : memref<80x128xf32, #tpu.memory_space<vmem_shared>>) target_semaphore(%run_scoped3A_105 : memref<!tpu.dma_semaphore, #tpu.memory_space<semaphore_mem>>)
      %dma_wait3A_118 = arith.constant 0 : i32
      %dma_wait3A_119 = arith.constant 0 : i32
      %dma_wait3A_120 = tpu.memref_slice %arg13[%run_scoped3A_16, %dma_wait3A_118, %dma_wait3A_119] : memref<3x80x128xf32, #tpu.memory_space<vmem>> -> memref<1x80x128xf32, #tpu.memory_space<vmem>>
      %dma_wait3A_121 = tpu.memref_squeeze %dma_wait3A_120 : memref<1x80x128xf32, #tpu.memory_space<vmem>> -> memref<80x128xf32, #tpu.memory_space<vmem>>
      %dma_wait3A_122 = arith.constant 0 : i32
      %dma_wait3A_123 = tpu.memref_slice %arg14[%add3A_15, %dma_wait3A_122] : memref<10000x128xf32, #tpu.memory_space<vmem_shared>> -> memref<80x128xf32, #tpu.memory_space<vmem_shared>>
      %dma_wait3A_124 = arith.constant 0 : i32
      %dma_wait3A_125 = tpu.memref_slice %arg14[%add3A_15, %dma_wait3A_124] : memref<10000x128xf32, #tpu.memory_space<vmem_shared>> -> memref<80x128xf32, #tpu.memory_space<vmem_shared>>
      %dma_wait3A_126 = arith.constant 0 : i32
      %dma_wait3A_127 = arith.constant 0 : i32
      %dma_wait3A_128 = tpu.memref_slice %arg13[%run_scoped3A_16, %dma_wait3A_126, %dma_wait3A_127] : memref<3x80x128xf32, #tpu.memory_space<vmem>> -> memref<1x80x128xf32, #tpu.memory_space<vmem>>
      %dma_wait3A_129 = tpu.memref_squeeze %dma_wait3A_128 : memref<1x80x128xf32, #tpu.memory_space<vmem>> -> memref<80x128xf32, #tpu.memory_space<vmem>>
      tpu.wait_dma2 semaphore(%run_scoped3A_105 : memref<!tpu.dma_semaphore, #tpu.memory_space<semaphore_mem>>) src(%dma_wait3A_129 : memref<80x128xf32, #tpu.memory_space<vmem>>) dst(%dma_wait3A_125 : memref<80x128xf32, #tpu.memory_space<vmem_shared>>)
      tpu.yield
    }) : () -> ()
    %mul3A_17 = arith.constant 624 : i32
    %mul3A_18 = arith.muli %arg1, %mul3A_17 : i32
    %add3A_19 = arith.constant 160 : i32
    %add3A_20 = arith.addi %mul3A_18, %add3A_19 : i32
    %run_scoped3A_21 = arith.constant 0 : i32
    "tpu.region"() ({
      %run_scoped3A_105 = tpu.sem_alloc : memref<!tpu.dma_semaphore, #tpu.memory_space<semaphore_mem>>
      %dma_start3A_106 = arith.constant 0 : i32
      %dma_start3A_107 = arith.constant 0 : i32
      %dma_start3A_108 = tpu.memref_slice %arg13[%run_scoped3A_21, %dma_start3A_106, %dma_start3A_107] : memref<3x80x128xf32, #tpu.memory_space<vmem>> -> memref<1x80x128xf32, #tpu.memory_space<vmem>>
      %dma_start3A_109 = tpu.memref_squeeze %dma_start3A_108 : memref<1x80x128xf32, #tpu.memory_space<vmem>> -> memref<80x128xf32, #tpu.memory_space<vmem>>
      %dma_start3A_110 = arith.constant 0 : i32
      %dma_start3A_111 = tpu.memref_slice %arg14[%add3A_20, %dma_start3A_110] : memref<10000x128xf32, #tpu.memory_space<vmem_shared>> -> memref<80x128xf32, #tpu.memory_space<vmem_shared>>
      %dma_start3A_112 = arith.constant 0 : i32
      %dma_start3A_113 = tpu.memref_slice %arg14[%add3A_20, %dma_start3A_112] : memref<10000x128xf32, #tpu.memory_space<vmem_shared>> -> memref<80x128xf32, #tpu.memory_space<vmem_shared>>
      %dma_start3A_114 = arith.constant 0 : i32
      %dma_start3A_115 = arith.constant 0 : i32
      %dma_start3A_116 = tpu.memref_slice %arg13[%run_scoped3A_21, %dma_start3A_114, %dma_start3A_115] : memref<3x80x128xf32, #tpu.memory_space<vmem>> -> memref<1x80x128xf32, #tpu.memory_space<vmem>>
      %dma_start3A_117 = tpu.memref_squeeze %dma_start3A_116 : memref<1x80x128xf32, #tpu.memory_space<vmem>> -> memref<80x128xf32, #tpu.memory_space<vmem>>
      tpu.enqueue_dma source(%dma_start3A_117 : memref<80x128xf32, #tpu.memory_space<vmem>>) target(%dma_start3A_113 : memref<80x128xf32, #tpu.memory_space<vmem_shared>>) target_semaphore(%run_scoped3A_105 : memref<!tpu.dma_semaphore, #tpu.memory_space<semaphore_mem>>)
      %dma_wait3A_118 = arith.constant 0 : i32
      %dma_wait3A_119 = arith.constant 0 : i32
      %dma_wait3A_120 = tpu.memref_slice %arg13[%run_scoped3A_21, %dma_wait3A_118, %dma_wait3A_119] : memref<3x80x128xf32, #tpu.memory_space<vmem>> -> memref<1x80x128xf32, #tpu.memory_space<vmem>>
      %dma_wait3A_121 = tpu.memref_squeeze %dma_wait3A_120 : memref<1x80x128xf32, #tpu.memory_space<vmem>> -> memref<80x128xf32, #tpu.memory_space<vmem>>
      %dma_wait3A_122 = arith.constant 0 : i32
      %dma_wait3A_123 = tpu.memref_slice %arg14[%add3A_20, %dma_wait3A_122] : memref<10000x128xf32, #tpu.memory_space<vmem_shared>> -> memref<80x128xf32, #tpu.memory_space<vmem_shared>>
      %dma_wait3A_124 = arith.constant 0 : i32
      %dma_wait3A_125 = tpu.memref_slice %arg14[%add3A_20, %dma_wait3A_124] : memref<10000x128xf32, #tpu.memory_space<vmem_shared>> -> memref<80x128xf32, #tpu.memory_space<vmem_shared>>
      %dma_wait3A_126 = arith.constant 0 : i32
      %dma_wait3A_127 = arith.constant 0 : i32
      %dma_wait3A_128 = tpu.memref_slice %arg13[%run_scoped3A_21, %dma_wait3A_126, %dma_wait3A_127] : memref<3x80x128xf32, #tpu.memory_space<vmem>> -> memref<1x80x128xf32, #tpu.memory_space<vmem>>
      %dma_wait3A_129 = tpu.memref_squeeze %dma_wait3A_128 : memref<1x80x128xf32, #tpu.memory_space<vmem>> -> memref<80x128xf32, #tpu.memory_space<vmem>>
      tpu.wait_dma2 semaphore(%run_scoped3A_105 : memref<!tpu.dma_semaphore, #tpu.memory_space<semaphore_mem>>) src(%dma_wait3A_129 : memref<80x128xf32, #tpu.memory_space<vmem>>) dst(%dma_wait3A_125 : memref<80x128xf32, #tpu.memory_space<vmem_shared>>)
      tpu.yield
    }) : () -> ()
    %mul3A_22 = arith.constant 624 : i32
    %mul3A_23 = arith.muli %arg1, %mul3A_22 : i32
    %add3A_24 = arith.constant 240 : i32
    %add3A_25 = arith.addi %mul3A_23, %add3A_24 : i32
    %run_scoped3A_26 = arith.constant 0 : i32
    "tpu.region"() ({
      %run_scoped3A_105 = tpu.sem_alloc : memref<!tpu.dma_semaphore, #tpu.memory_space<semaphore_mem>>
      %dma_start3A_106 = arith.constant 0 : i32
      %dma_start3A_107 = arith.constant 0 : i32
      %dma_start3A_108 = tpu.memref_slice %arg13[%run_scoped3A_26, %dma_start3A_106, %dma_start3A_107] : memref<3x80x128xf32, #tpu.memory_space<vmem>> -> memref<1x80x128xf32, #tpu.memory_space<vmem>>
      %dma_start3A_109 = tpu.memref_squeeze %dma_start3A_108 : memref<1x80x128xf32, #tpu.memory_space<vmem>> -> memref<80x128xf32, #tpu.memory_space<vmem>>
      %dma_start3A_110 = arith.constant 0 : i32
      %dma_start3A_111 = tpu.memref_slice %arg14[%add3A_25, %dma_start3A_110] : memref<10000x128xf32, #tpu.memory_space<vmem_shared>> -> memref<80x128xf32, #tpu.memory_space<vmem_shared>>
      %dma_start3A_112 = arith.constant 0 : i32
      %dma_start3A_113 = tpu.memref_slice %arg14[%add3A_25, %dma_start3A_112] : memref<10000x128xf32, #tpu.memory_space<vmem_shared>> -> memref<80x128xf32, #tpu.memory_space<vmem_shared>>
      %dma_start3A_114 = arith.constant 0 : i32
      %dma_start3A_115 = arith.constant 0 : i32
      %dma_start3A_116 = tpu.memref_slice %arg13[%run_scoped3A_26, %dma_start3A_114, %dma_start3A_115] : memref<3x80x128xf32, #tpu.memory_space<vmem>> -> memref<1x80x128xf32, #tpu.memory_space<vmem>>
      %dma_start3A_117 = tpu.memref_squeeze %dma_start3A_116 : memref<1x80x128xf32, #tpu.memory_space<vmem>> -> memref<80x128xf32, #tpu.memory_space<vmem>>
      tpu.enqueue_dma source(%dma_start3A_117 : memref<80x128xf32, #tpu.memory_space<vmem>>) target(%dma_start3A_113 : memref<80x128xf32, #tpu.memory_space<vmem_shared>>) target_semaphore(%run_scoped3A_105 : memref<!tpu.dma_semaphore, #tpu.memory_space<semaphore_mem>>)
      %dma_wait3A_118 = arith.constant 0 : i32
      %dma_wait3A_119 = arith.constant 0 : i32
      %dma_wait3A_120 = tpu.memref_slice %arg13[%run_scoped3A_26, %dma_wait3A_118, %dma_wait3A_119] : memref<3x80x128xf32, #tpu.memory_space<vmem>> -> memref<1x80x128xf32, #tpu.memory_space<vmem>>
      %dma_wait3A_121 = tpu.memref_squeeze %dma_wait3A_120 : memref<1x80x128xf32, #tpu.memory_space<vmem>> -> memref<80x128xf32, #tpu.memory_space<vmem>>
      %dma_wait3A_122 = arith.constant 0 : i32
      %dma_wait3A_123 = tpu.memref_slice %arg14[%add3A_25, %dma_wait3A_122] : memref<10000x128xf32, #tpu.memory_space<vmem_shared>> -> memref<80x128xf32, #tpu.memory_space<vmem_shared>>
      %dma_wait3A_124 = arith.constant 0 : i32
      %dma_wait3A_125 = tpu.memref_slice %arg14[%add3A_25, %dma_wait3A_124] : memref<10000x128xf32, #tpu.memory_space<vmem_shared>> -> memref<80x128xf32, #tpu.memory_space<vmem_shared>>
      %dma_wait3A_126 = arith.constant 0 : i32
      %dma_wait3A_127 = arith.constant 0 : i32
      %dma_wait3A_128 = tpu.memref_slice %arg13[%run_scoped3A_26, %dma_wait3A_126, %dma_wait3A_127] : memref<3x80x128xf32, #tpu.memory_space<vmem>> -> memref<1x80x128xf32, #tpu.memory_space<vmem>>
      %dma_wait3A_129 = tpu.memref_squeeze %dma_wait3A_128 : memref<1x80x128xf32, #tpu.memory_space<vmem>> -> memref<80x128xf32, #tpu.memory_space<vmem>>
      tpu.wait_dma2 semaphore(%run_scoped3A_105 : memref<!tpu.dma_semaphore, #tpu.memory_space<semaphore_mem>>) src(%dma_wait3A_129 : memref<80x128xf32, #tpu.memory_space<vmem>>) dst(%dma_wait3A_125 : memref<80x128xf32, #tpu.memory_space<vmem_shared>>)
      tpu.yield
    }) : () -> ()
    %mul3A_27 = arith.constant 624 : i32
    %mul3A_28 = arith.muli %arg1, %mul3A_27 : i32
    %add3A_29 = arith.constant 320 : i32
    %add3A_30 = arith.addi %mul3A_28, %add3A_29 : i32
    %run_scoped3A_31 = arith.constant 0 : i32
    "tpu.region"() ({
      %run_scoped3A_105 = tpu.sem_alloc : memref<!tpu.dma_semaphore, #tpu.memory_space<semaphore_mem>>
      %dma_start3A_106 = arith.constant 0 : i32
      %dma_start3A_107 = arith.constant 0 : i32
      %dma_start3A_108 = tpu.memref_slice %arg13[%run_scoped3A_31, %dma_start3A_106, %dma_start3A_107] : memref<3x80x128xf32, #tpu.memory_space<vmem>> -> memref<1x80x128xf32, #tpu.memory_space<vmem>>
      %dma_start3A_109 = tpu.memref_squeeze %dma_start3A_108 : memref<1x80x128xf32, #tpu.memory_space<vmem>> -> memref<80x128xf32, #tpu.memory_space<vmem>>
      %dma_start3A_110 = arith.constant 0 : i32
      %dma_start3A_111 = tpu.memref_slice %arg14[%add3A_30, %dma_start3A_110] : memref<10000x128xf32, #tpu.memory_space<vmem_shared>> -> memref<80x128xf32, #tpu.memory_space<vmem_shared>>
      %dma_start3A_112 = arith.constant 0 : i32
      %dma_start3A_113 = tpu.memref_slice %arg14[%add3A_30, %dma_start3A_112] : memref<10000x128xf32, #tpu.memory_space<vmem_shared>> -> memref<80x128xf32, #tpu.memory_space<vmem_shared>>
      %dma_start3A_114 = arith.constant 0 : i32
      %dma_start3A_115 = arith.constant 0 : i32
      %dma_start3A_116 = tpu.memref_slice %arg13[%run_scoped3A_31, %dma_start3A_114, %dma_start3A_115] : memref<3x80x128xf32, #tpu.memory_space<vmem>> -> memref<1x80x128xf32, #tpu.memory_space<vmem>>
      %dma_start3A_117 = tpu.memref_squeeze %dma_start3A_116 : memref<1x80x128xf32, #tpu.memory_space<vmem>> -> memref<80x128xf32, #tpu.memory_space<vmem>>
      tpu.enqueue_dma source(%dma_start3A_117 : memref<80x128xf32, #tpu.memory_space<vmem>>) target(%dma_start3A_113 : memref<80x128xf32, #tpu.memory_space<vmem_shared>>) target_semaphore(%run_scoped3A_105 : memref<!tpu.dma_semaphore, #tpu.memory_space<semaphore_mem>>)
      %dma_wait3A_118 = arith.constant 0 : i32
      %dma_wait3A_119 = arith.constant 0 : i32
      %dma_wait3A_120 = tpu.memref_slice %arg13[%run_scoped3A_31, %dma_wait3A_118, %dma_wait3A_119] : memref<3x80x128xf32, #tpu.memory_space<vmem>> -> memref<1x80x128xf32, #tpu.memory_space<vmem>>
      %dma_wait3A_121 = tpu.memref_squeeze %dma_wait3A_120 : memref<1x80x128xf32, #tpu.memory_space<vmem>> -> memref<80x128xf32, #tpu.memory_space<vmem>>
      %dma_wait3A_122 = arith.constant 0 : i32
      %dma_wait3A_123 = tpu.memref_slice %arg14[%add3A_30, %dma_wait3A_122] : memref<10000x128xf32, #tpu.memory_space<vmem_shared>> -> memref<80x128xf32, #tpu.memory_space<vmem_shared>>
      %dma_wait3A_124 = arith.constant 0 : i32
      %dma_wait3A_125 = tpu.memref_slice %arg14[%add3A_30, %dma_wait3A_124] : memref<10000x128xf32, #tpu.memory_space<vmem_shared>> -> memref<80x128xf32, #tpu.memory_space<vmem_shared>>
      %dma_wait3A_126 = arith.constant 0 : i32
      %dma_wait3A_127 = arith.constant 0 : i32
      %dma_wait3A_128 = tpu.memref_slice %arg13[%run_scoped3A_31, %dma_wait3A_126, %dma_wait3A_127] : memref<3x80x128xf32, #tpu.memory_space<vmem>> -> memref<1x80x128xf32, #tpu.memory_space<vmem>>
      %dma_wait3A_129 = tpu.memref_squeeze %dma_wait3A_128 : memref<1x80x128xf32, #tpu.memory_space<vmem>> -> memref<80x128xf32, #tpu.memory_space<vmem>>
      tpu.wait_dma2 semaphore(%run_scoped3A_105 : memref<!tpu.dma_semaphore, #tpu.memory_space<semaphore_mem>>) src(%dma_wait3A_129 : memref<80x128xf32, #tpu.memory_space<vmem>>) dst(%dma_wait3A_125 : memref<80x128xf32, #tpu.memory_space<vmem_shared>>)
      tpu.yield
    }) : () -> ()
    %mul3A_32 = arith.constant 624 : i32
    %mul3A_33 = arith.muli %arg1, %mul3A_32 : i32
    %add3A_34 = arith.constant 400 : i32
    %add3A_35 = arith.addi %mul3A_33, %add3A_34 : i32
    %run_scoped3A_36 = arith.constant 0 : i32
    "tpu.region"() ({
      %run_scoped3A_105 = tpu.sem_alloc : memref<!tpu.dma_semaphore, #tpu.memory_space<semaphore_mem>>
      %dma_start3A_106 = arith.constant 0 : i32
      %dma_start3A_107 = arith.constant 0 : i32
      %dma_start3A_108 = tpu.memref_slice %arg13[%run_scoped3A_36, %dma_start3A_106, %dma_start3A_107] : memref<3x80x128xf32, #tpu.memory_space<vmem>> -> memref<1x80x128xf32, #tpu.memory_space<vmem>>
      %dma_start3A_109 = tpu.memref_squeeze %dma_start3A_108 : memref<1x80x128xf32, #tpu.memory_space<vmem>> -> memref<80x128xf32, #tpu.memory_space<vmem>>
      %dma_start3A_110 = arith.constant 0 : i32
      %dma_start3A_111 = tpu.memref_slice %arg14[%add3A_35, %dma_start3A_110] : memref<10000x128xf32, #tpu.memory_space<vmem_shared>> -> memref<80x128xf32, #tpu.memory_space<vmem_shared>>
      %dma_start3A_112 = arith.constant 0 : i32
      %dma_start3A_113 = tpu.memref_slice %arg14[%add3A_35, %dma_start3A_112] : memref<10000x128xf32, #tpu.memory_space<vmem_shared>> -> memref<80x128xf32, #tpu.memory_space<vmem_shared>>
      %dma_start3A_114 = arith.constant 0 : i32
      %dma_start3A_115 = arith.constant 0 : i32
      %dma_start3A_116 = tpu.memref_slice %arg13[%run_scoped3A_36, %dma_start3A_114, %dma_start3A_115] : memref<3x80x128xf32, #tpu.memory_space<vmem>> -> memref<1x80x128xf32, #tpu.memory_space<vmem>>
      %dma_start3A_117 = tpu.memref_squeeze %dma_start3A_116 : memref<1x80x128xf32, #tpu.memory_space<vmem>> -> memref<80x128xf32, #tpu.memory_space<vmem>>
      tpu.enqueue_dma source(%dma_start3A_117 : memref<80x128xf32, #tpu.memory_space<vmem>>) target(%dma_start3A_113 : memref<80x128xf32, #tpu.memory_space<vmem_shared>>) target_semaphore(%run_scoped3A_105 : memref<!tpu.dma_semaphore, #tpu.memory_space<semaphore_mem>>)
      %dma_wait3A_118 = arith.constant 0 : i32
      %dma_wait3A_119 = arith.constant 0 : i32
      %dma_wait3A_120 = tpu.memref_slice %arg13[%run_scoped3A_36, %dma_wait3A_118, %dma_wait3A_119] : memref<3x80x128xf32, #tpu.memory_space<vmem>> -> memref<1x80x128xf32, #tpu.memory_space<vmem>>
      %dma_wait3A_121 = tpu.memref_squeeze %dma_wait3A_120 : memref<1x80x128xf32, #tpu.memory_space<vmem>> -> memref<80x128xf32, #tpu.memory_space<vmem>>
      %dma_wait3A_122 = arith.constant 0 : i32
      %dma_wait3A_123 = tpu.memref_slice %arg14[%add3A_35, %dma_wait3A_122] : memref<10000x128xf32, #tpu.memory_space<vmem_shared>> -> memref<80x128xf32, #tpu.memory_space<vmem_shared>>
      %dma_wait3A_124 = arith.constant 0 : i32
      %dma_wait3A_125 = tpu.memref_slice %arg14[%add3A_35, %dma_wait3A_124] : memref<10000x128xf32, #tpu.memory_space<vmem_shared>> -> memref<80x128xf32, #tpu.memory_space<vmem_shared>>
      %dma_wait3A_126 = arith.constant 0 : i32
      %dma_wait3A_127 = arith.constant 0 : i32
      %dma_wait3A_128 = tpu.memref_slice %arg13[%run_scoped3A_36, %dma_wait3A_126, %dma_wait3A_127] : memref<3x80x128xf32, #tpu.memory_space<vmem>> -> memref<1x80x128xf32, #tpu.memory_space<vmem>>
      %dma_wait3A_129 = tpu.memref_squeeze %dma_wait3A_128 : memref<1x80x128xf32, #tpu.memory_space<vmem>> -> memref<80x128xf32, #tpu.memory_space<vmem>>
      tpu.wait_dma2 semaphore(%run_scoped3A_105 : memref<!tpu.dma_semaphore, #tpu.memory_space<semaphore_mem>>) src(%dma_wait3A_129 : memref<80x128xf32, #tpu.memory_space<vmem>>) dst(%dma_wait3A_125 : memref<80x128xf32, #tpu.memory_space<vmem_shared>>)
      tpu.yield
    }) : () -> ()
    %mul3A_37 = arith.constant 624 : i32
    %mul3A_38 = arith.muli %arg1, %mul3A_37 : i32
    %add3A_39 = arith.constant 480 : i32
    %add3A_40 = arith.addi %mul3A_38, %add3A_39 : i32
    %run_scoped3A_41 = arith.constant 0 : i32
    "tpu.region"() ({
      %run_scoped3A_105 = tpu.sem_alloc : memref<!tpu.dma_semaphore, #tpu.memory_space<semaphore_mem>>
      %dma_start3A_106 = arith.constant 0 : i32
      %dma_start3A_107 = arith.constant 0 : i32
      %dma_start3A_108 = tpu.memref_slice %arg13[%run_scoped3A_41, %dma_start3A_106, %dma_start3A_107] : memref<3x80x128xf32, #tpu.memory_space<vmem>> -> memref<1x80x128xf32, #tpu.memory_space<vmem>>
      %dma_start3A_109 = tpu.memref_squeeze %dma_start3A_108 : memref<1x80x128xf32, #tpu.memory_space<vmem>> -> memref<80x128xf32, #tpu.memory_space<vmem>>
      %dma_start3A_110 = arith.constant 0 : i32
      %dma_start3A_111 = tpu.memref_slice %arg14[%add3A_40, %dma_start3A_110] : memref<10000x128xf32, #tpu.memory_space<vmem_shared>> -> memref<80x128xf32, #tpu.memory_space<vmem_shared>>
      %dma_start3A_112 = arith.constant 0 : i32
      %dma_start3A_113 = tpu.memref_slice %arg14[%add3A_40, %dma_start3A_112] : memref<10000x128xf32, #tpu.memory_space<vmem_shared>> -> memref<80x128xf32, #tpu.memory_space<vmem_shared>>
      %dma_start3A_114 = arith.constant 0 : i32
      %dma_start3A_115 = arith.constant 0 : i32
      %dma_start3A_116 = tpu.memref_slice %arg13[%run_scoped3A_41, %dma_start3A_114, %dma_start3A_115] : memref<3x80x128xf32, #tpu.memory_space<vmem>> -> memref<1x80x128xf32, #tpu.memory_space<vmem>>
      %dma_start3A_117 = tpu.memref_squeeze %dma_start3A_116 : memref<1x80x128xf32, #tpu.memory_space<vmem>> -> memref<80x128xf32, #tpu.memory_space<vmem>>
      tpu.enqueue_dma source(%dma_start3A_117 : memref<80x128xf32, #tpu.memory_space<vmem>>) target(%dma_start3A_113 : memref<80x128xf32, #tpu.memory_space<vmem_shared>>) target_semaphore(%run_scoped3A_105 : memref<!tpu.dma_semaphore, #tpu.memory_space<semaphore_mem>>)
      %dma_wait3A_118 = arith.constant 0 : i32
      %dma_wait3A_119 = arith.constant 0 : i32
      %dma_wait3A_120 = tpu.memref_slice %arg13[%run_scoped3A_41, %dma_wait3A_118, %dma_wait3A_119] : memref<3x80x128xf32, #tpu.memory_space<vmem>> -> memref<1x80x128xf32, #tpu.memory_space<vmem>>
      %dma_wait3A_121 = tpu.memref_squeeze %dma_wait3A_120 : memref<1x80x128xf32, #tpu.memory_space<vmem>> -> memref<80x128xf32, #tpu.memory_space<vmem>>
      %dma_wait3A_122 = arith.constant 0 : i32
      %dma_wait3A_123 = tpu.memref_slice %arg14[%add3A_40, %dma_wait3A_122] : memref<10000x128xf32, #tpu.memory_space<vmem_shared>> -> memref<80x128xf32, #tpu.memory_space<vmem_shared>>
      %dma_wait3A_124 = arith.constant 0 : i32
      %dma_wait3A_125 = tpu.memref_slice %arg14[%add3A_40, %dma_wait3A_124] : memref<10000x128xf32, #tpu.memory_space<vmem_shared>> -> memref<80x128xf32, #tpu.memory_space<vmem_shared>>
      %dma_wait3A_126 = arith.constant 0 : i32
      %dma_wait3A_127 = arith.constant 0 : i32
      %dma_wait3A_128 = tpu.memref_slice %arg13[%run_scoped3A_41, %dma_wait3A_126, %dma_wait3A_127] : memref<3x80x128xf32, #tpu.memory_space<vmem>> -> memref<1x80x128xf32, #tpu.memory_space<vmem>>
      %dma_wait3A_129 = tpu.memref_squeeze %dma_wait3A_128 : memref<1x80x128xf32, #tpu.memory_space<vmem>> -> memref<80x128xf32, #tpu.memory_space<vmem>>
      tpu.wait_dma2 semaphore(%run_scoped3A_105 : memref<!tpu.dma_semaphore, #tpu.memory_space<semaphore_mem>>) src(%dma_wait3A_129 : memref<80x128xf32, #tpu.memory_space<vmem>>) dst(%dma_wait3A_125 : memref<80x128xf32, #tpu.memory_space<vmem_shared>>)
      tpu.yield
    }) : () -> ()
    %mul3A_42 = arith.constant 624 : i32
    %mul3A_43 = arith.muli %arg1, %mul3A_42 : i32
    %add3A_44 = arith.constant 560 : i32
    %add3A_45 = arith.addi %mul3A_43, %add3A_44 : i32
    %run_scoped3A_46 = arith.constant 0 : i32
    "tpu.region"() ({
      %run_scoped3A_105 = tpu.sem_alloc : memref<!tpu.dma_semaphore, #tpu.memory_space<semaphore_mem>>
      %dma_start3A_106 = arith.constant 0 : i32
      %dma_start3A_107 = arith.constant 0 : i32
      %dma_start3A_108 = tpu.memref_slice %arg13[%run_scoped3A_46, %dma_start3A_106, %dma_start3A_107] : memref<3x80x128xf32, #tpu.memory_space<vmem>> -> memref<1x64x128xf32, #tpu.memory_space<vmem>>
      %dma_start3A_109 = tpu.memref_squeeze %dma_start3A_108 : memref<1x64x128xf32, #tpu.memory_space<vmem>> -> memref<64x128xf32, #tpu.memory_space<vmem>>
      %dma_start3A_110 = arith.constant 0 : i32
      %dma_start3A_111 = tpu.memref_slice %arg14[%add3A_45, %dma_start3A_110] : memref<10000x128xf32, #tpu.memory_space<vmem_shared>> -> memref<64x128xf32, #tpu.memory_space<vmem_shared>>
      %dma_start3A_112 = arith.constant 0 : i32
      %dma_start3A_113 = tpu.memref_slice %arg14[%add3A_45, %dma_start3A_112] : memref<10000x128xf32, #tpu.memory_space<vmem_shared>> -> memref<64x128xf32, #tpu.memory_space<vmem_shared>>
      %dma_start3A_114 = arith.constant 0 : i32
      %dma_start3A_115 = arith.constant 0 : i32
      %dma_start3A_116 = tpu.memref_slice %arg13[%run_scoped3A_46, %dma_start3A_114, %dma_start3A_115] : memref<3x80x128xf32, #tpu.memory_space<vmem>> -> memref<1x64x128xf32, #tpu.memory_space<vmem>>
      %dma_start3A_117 = tpu.memref_squeeze %dma_start3A_116 : memref<1x64x128xf32, #tpu.memory_space<vmem>> -> memref<64x128xf32, #tpu.memory_space<vmem>>
      tpu.enqueue_dma source(%dma_start3A_117 : memref<64x128xf32, #tpu.memory_space<vmem>>) target(%dma_start3A_113 : memref<64x128xf32, #tpu.memory_space<vmem_shared>>) target_semaphore(%run_scoped3A_105 : memref<!tpu.dma_semaphore, #tpu.memory_space<semaphore_mem>>)
      %dma_wait3A_118 = arith.constant 0 : i32
      %dma_wait3A_119 = arith.constant 0 : i32
      %dma_wait3A_120 = tpu.memref_slice %arg13[%run_scoped3A_46, %dma_wait3A_118, %dma_wait3A_119] : memref<3x80x128xf32, #tpu.memory_space<vmem>> -> memref<1x64x128xf32, #tpu.memory_space<vmem>>
      %dma_wait3A_121 = tpu.memref_squeeze %dma_wait3A_120 : memref<1x64x128xf32, #tpu.memory_space<vmem>> -> memref<64x128xf32, #tpu.memory_space<vmem>>
      %dma_wait3A_122 = arith.constant 0 : i32
      %dma_wait3A_123 = tpu.memref_slice %arg14[%add3A_45, %dma_wait3A_122] : memref<10000x128xf32, #tpu.memory_space<vmem_shared>> -> memref<64x128xf32, #tpu.memory_space<vmem_shared>>
      %dma_wait3A_124 = arith.constant 0 : i32
      %dma_wait3A_125 = tpu.memref_slice %arg14[%add3A_45, %dma_wait3A_124] : memref<10000x128xf32, #tpu.memory_space<vmem_shared>> -> memref<64x128xf32, #tpu.memory_space<vmem_shared>>
      %dma_wait3A_126 = arith.constant 0 : i32
      %dma_wait3A_127 = arith.constant 0 : i32
      %dma_wait3A_128 = tpu.memref_slice %arg13[%run_scoped3A_46, %dma_wait3A_126, %dma_wait3A_127] : memref<3x80x128xf32, #tpu.memory_space<vmem>> -> memref<1x64x128xf32, #tpu.memory_space<vmem>>
      %dma_wait3A_129 = tpu.memref_squeeze %dma_wait3A_128 : memref<1x64x128xf32, #tpu.memory_space<vmem>> -> memref<64x128xf32, #tpu.memory_space<vmem>>
      tpu.wait_dma2 semaphore(%run_scoped3A_105 : memref<!tpu.dma_semaphore, #tpu.memory_space<semaphore_mem>>) src(%dma_wait3A_129 : memref<64x128xf32, #tpu.memory_space<vmem>>) dst(%dma_wait3A_125 : memref<64x128xf32, #tpu.memory_space<vmem_shared>>)
      tpu.yield
    }) : () -> ()
    %eq3A = arith.constant 15 : i32
    %eq3A_47 = arith.cmpi eq, %arg1, %eq3A : i32
    %convert_element_type3A = arith.extui %eq3A_47 : i1 to i32
    %cond3A = arith.constant 0 : i32
    %cond3A_48 = arith.cmpi ne, %convert_element_type3A, %cond3A : i32
    scf.if %cond3A_48 {
      %run_scoped3A_105 = arith.constant 0 : i32
      "tpu.region"() ({
        %run_scoped3A_106 = tpu.sem_alloc : memref<!tpu.dma_semaphore, #tpu.memory_space<semaphore_mem>>
        %dma_start3A_107 = arith.constant 0 : i32
        %dma_start3A_108 = arith.constant 0 : i32
        %dma_start3A_109 = tpu.memref_slice %arg13[%run_scoped3A_105, %dma_start3A_107, %dma_start3A_108] : memref<3x80x128xf32, #tpu.memory_space<vmem>> -> memref<1x16x128xf32, #tpu.memory_space<vmem>>
        %dma_start3A_110 = tpu.memref_squeeze %dma_start3A_109 : memref<1x16x128xf32, #tpu.memory_space<vmem>> -> memref<16x128xf32, #tpu.memory_space<vmem>>
        %dma_start3A_111 = arith.constant 9984 : i32
        %dma_start3A_112 = arith.constant 0 : i32
        %dma_start3A_113 = tpu.memref_slice %arg14[%dma_start3A_111, %dma_start3A_112] : memref<10000x128xf32, #tpu.memory_space<vmem_shared>> -> memref<16x128xf32, #tpu.memory_space<vmem_shared>>
        %dma_start3A_114 = arith.constant 9984 : i32
        %dma_start3A_115 = arith.constant 0 : i32
        %dma_start3A_116 = tpu.memref_slice %arg14[%dma_start3A_114, %dma_start3A_115] : memref<10000x128xf32, #tpu.memory_space<vmem_shared>> -> memref<16x128xf32, #tpu.memory_space<vmem_shared>>
        %dma_start3A_117 = arith.constant 0 : i32
        %dma_start3A_118 = arith.constant 0 : i32
        %dma_start3A_119 = tpu.memref_slice %arg13[%run_scoped3A_105, %dma_start3A_117, %dma_start3A_118] : memref<3x80x128xf32, #tpu.memory_space<vmem>> -> memref<1x16x128xf32, #tpu.memory_space<vmem>>
        %dma_start3A_120 = tpu.memref_squeeze %dma_start3A_119 : memref<1x16x128xf32, #tpu.memory_space<vmem>> -> memref<16x128xf32, #tpu.memory_space<vmem>>
        tpu.enqueue_dma source(%dma_start3A_120 : memref<16x128xf32, #tpu.memory_space<vmem>>) target(%dma_start3A_116 : memref<16x128xf32, #tpu.memory_space<vmem_shared>>) target_semaphore(%run_scoped3A_106 : memref<!tpu.dma_semaphore, #tpu.memory_space<semaphore_mem>>)
        %dma_wait3A_121 = arith.constant 0 : i32
        %dma_wait3A_122 = arith.constant 0 : i32
        %dma_wait3A_123 = tpu.memref_slice %arg13[%run_scoped3A_105, %dma_wait3A_121, %dma_wait3A_122] : memref<3x80x128xf32, #tpu.memory_space<vmem>> -> memref<1x16x128xf32, #tpu.memory_space<vmem>>
        %dma_wait3A_124 = tpu.memref_squeeze %dma_wait3A_123 : memref<1x16x128xf32, #tpu.memory_space<vmem>> -> memref<16x128xf32, #tpu.memory_space<vmem>>
        %dma_wait3A_125 = arith.constant 9984 : i32
        %dma_wait3A_126 = arith.constant 0 : i32
        %dma_wait3A_127 = tpu.memref_slice %arg14[%dma_wait3A_125, %dma_wait3A_126] : memref<10000x128xf32, #tpu.memory_space<vmem_shared>> -> memref<16x128xf32, #tpu.memory_space<vmem_shared>>
        %dma_wait3A_128 = arith.constant 9984 : i32
        %dma_wait3A_129 = arith.constant 0 : i32
        %dma_wait3A_130 = tpu.memref_slice %arg14[%dma_wait3A_128, %dma_wait3A_129] : memref<10000x128xf32, #tpu.memory_space<vmem_shared>> -> memref<16x128xf32, #tpu.memory_space<vmem_shared>>
        %dma_wait3A_131 = arith.constant 0 : i32
        %dma_wait3A_132 = arith.constant 0 : i32
        %dma_wait3A_133 = tpu.memref_slice %arg13[%run_scoped3A_105, %dma_wait3A_131, %dma_wait3A_132] : memref<3x80x128xf32, #tpu.memory_space<vmem>> -> memref<1x16x128xf32, #tpu.memory_space<vmem>>
        %dma_wait3A_134 = tpu.memref_squeeze %dma_wait3A_133 : memref<1x16x128xf32, #tpu.memory_space<vmem>> -> memref<16x128xf32, #tpu.memory_space<vmem>>
        tpu.wait_dma2 semaphore(%run_scoped3A_106 : memref<!tpu.dma_semaphore, #tpu.memory_space<semaphore_mem>>) src(%dma_wait3A_134 : memref<16x128xf32, #tpu.memory_space<vmem>>) dst(%dma_wait3A_130 : memref<16x128xf32, #tpu.memory_space<vmem_shared>>)
        tpu.yield
      }) : () -> ()
    } else {
    }
    %barrier3A = arith.constant 0 : index
    tpu.barrier barrier_id(%barrier3A)
    %run_scoped3A_49 = arith.constant 0 : i32
    "tpu.region"() ({
      %run_scoped3A_105 = tpu.sem_alloc : memref<!tpu.dma_semaphore, #tpu.memory_space<semaphore_mem>>
      %dma_start3A_106 = arith.constant 0 : i32
      %dma_start3A_107 = arith.constant 0 : i32
      %dma_start3A_108 = tpu.memref_slice %arg8[%dma_start3A_106, %dma_start3A_107] : memref<10x80xi32, #tpu.memory_space<vmem>> -> memref<5x80xi32, #tpu.memory_space<vmem>>
      %dma_start3A_109 = arith.constant 0 : i32
      %dma_start3A_110 = arith.constant 0 : i32
      %dma_start3A_111 = tpu.memref_slice %arg4[%add3A, %run_scoped3A_49, %dma_start3A_109, %dma_start3A_110] : memref<32x25x5x80xi32, #tpu.memory_space<hbm>> -> memref<1x1x5x80xi32, #tpu.memory_space<hbm>>
      %dma_start3A_112 = tpu.memref_squeeze %dma_start3A_111 : memref<1x1x5x80xi32, #tpu.memory_space<hbm>> -> memref<5x80xi32, #tpu.memory_space<hbm>>
      %dma_start3A_113 = arith.constant 0 : i32
      %dma_start3A_114 = arith.constant 0 : i32
      %dma_start3A_115 = tpu.memref_slice %arg8[%dma_start3A_113, %dma_start3A_114] : memref<10x80xi32, #tpu.memory_space<vmem>> -> memref<5x80xi32, #tpu.memory_space<vmem>>
      %dma_start3A_116 = arith.constant 0 : i32
      %dma_start3A_117 = arith.constant 0 : i32
      %dma_start3A_118 = tpu.memref_slice %arg4[%add3A, %run_scoped3A_49, %dma_start3A_116, %dma_start3A_117] : memref<32x25x5x80xi32, #tpu.memory_space<hbm>> -> memref<1x1x5x80xi32, #tpu.memory_space<hbm>>
      %dma_start3A_119 = tpu.memref_squeeze %dma_start3A_118 : memref<1x1x5x80xi32, #tpu.memory_space<hbm>> -> memref<5x80xi32, #tpu.memory_space<hbm>>
      tpu.enqueue_dma source(%dma_start3A_119 : memref<5x80xi32, #tpu.memory_space<hbm>>) target(%dma_start3A_115 : memref<5x80xi32, #tpu.memory_space<vmem>>) target_semaphore(%run_scoped3A_105 : memref<!tpu.dma_semaphore, #tpu.memory_space<semaphore_mem>>)
      %dma_wait3A_120 = arith.constant 0 : i32
      %dma_wait3A_121 = arith.constant 0 : i32
      %dma_wait3A_122 = tpu.memref_slice %arg8[%dma_wait3A_120, %dma_wait3A_121] : memref<10x80xi32, #tpu.memory_space<vmem>> -> memref<5x80xi32, #tpu.memory_space<vmem>>
      %dma_wait3A_123 = arith.constant 0 : i32
      %dma_wait3A_124 = arith.constant 0 : i32
      %dma_wait3A_125 = tpu.memref_slice %arg4[%add3A, %run_scoped3A_49, %dma_wait3A_123, %dma_wait3A_124] : memref<32x25x5x80xi32, #tpu.memory_space<hbm>> -> memref<1x1x5x80xi32, #tpu.memory_space<hbm>>
      %dma_wait3A_126 = tpu.memref_squeeze %dma_wait3A_125 : memref<1x1x5x80xi32, #tpu.memory_space<hbm>> -> memref<5x80xi32, #tpu.memory_space<hbm>>
      %dma_wait3A_127 = arith.constant 0 : i32
      %dma_wait3A_128 = arith.constant 0 : i32
      %dma_wait3A_129 = tpu.memref_slice %arg8[%dma_wait3A_127, %dma_wait3A_128] : memref<10x80xi32, #tpu.memory_space<vmem>> -> memref<5x80xi32, #tpu.memory_space<vmem>>
      %dma_wait3A_130 = arith.constant 0 : i32
      %dma_wait3A_131 = arith.constant 0 : i32
      %dma_wait3A_132 = tpu.memref_slice %arg4[%add3A, %run_scoped3A_49, %dma_wait3A_130, %dma_wait3A_131] : memref<32x25x5x80xi32, #tpu.memory_space<hbm>> -> memref<1x1x5x80xi32, #tpu.memory_space<hbm>>
      %dma_wait3A_133 = tpu.memref_squeeze %dma_wait3A_132 : memref<1x1x5x80xi32, #tpu.memory_space<hbm>> -> memref<5x80xi32, #tpu.memory_space<hbm>>
      tpu.wait_dma2 semaphore(%run_scoped3A_105 : memref<!tpu.dma_semaphore, #tpu.memory_space<semaphore_mem>>) src(%dma_wait3A_133 : memref<5x80xi32, #tpu.memory_space<hbm>>) dst(%dma_wait3A_129 : memref<5x80xi32, #tpu.memory_space<vmem>>)
      tpu.yield
    }) : () -> ()
    %run_scoped3A_50 = arith.constant 0 : i32
    "tpu.region"() ({
      %run_scoped3A_105 = tpu.sem_alloc : memref<!tpu.dma_semaphore, #tpu.memory_space<semaphore_mem>>
      %dma_start3A_106 = arith.constant 0 : i32
      %dma_start3A_107 = arith.constant 0 : i32
      %dma_start3A_108 = tpu.memref_slice %arg9[%dma_start3A_106, %dma_start3A_107] : memref<10x80xi32, #tpu.memory_space<vmem>> -> memref<5x80xi32, #tpu.memory_space<vmem>>
      %dma_start3A_109 = arith.constant 0 : i32
      %dma_start3A_110 = arith.constant 0 : i32
      %dma_start3A_111 = tpu.memref_slice %arg5[%add3A, %run_scoped3A_50, %dma_start3A_109, %dma_start3A_110] : memref<32x25x5x80xi32, #tpu.memory_space<hbm>> -> memref<1x1x5x80xi32, #tpu.memory_space<hbm>>
      %dma_start3A_112 = tpu.memref_squeeze %dma_start3A_111 : memref<1x1x5x80xi32, #tpu.memory_space<hbm>> -> memref<5x80xi32, #tpu.memory_space<hbm>>
      %dma_start3A_113 = arith.constant 0 : i32
      %dma_start3A_114 = arith.constant 0 : i32
      %dma_start3A_115 = tpu.memref_slice %arg9[%dma_start3A_113, %dma_start3A_114] : memref<10x80xi32, #tpu.memory_space<vmem>> -> memref<5x80xi32, #tpu.memory_space<vmem>>
      %dma_start3A_116 = arith.constant 0 : i32
      %dma_start3A_117 = arith.constant 0 : i32
      %dma_start3A_118 = tpu.memref_slice %arg5[%add3A, %run_scoped3A_50, %dma_start3A_116, %dma_start3A_117] : memref<32x25x5x80xi32, #tpu.memory_space<hbm>> -> memref<1x1x5x80xi32, #tpu.memory_space<hbm>>
      %dma_start3A_119 = tpu.memref_squeeze %dma_start3A_118 : memref<1x1x5x80xi32, #tpu.memory_space<hbm>> -> memref<5x80xi32, #tpu.memory_space<hbm>>
      tpu.enqueue_dma source(%dma_start3A_119 : memref<5x80xi32, #tpu.memory_space<hbm>>) target(%dma_start3A_115 : memref<5x80xi32, #tpu.memory_space<vmem>>) target_semaphore(%run_scoped3A_105 : memref<!tpu.dma_semaphore, #tpu.memory_space<semaphore_mem>>)
      %dma_wait3A_120 = arith.constant 0 : i32
      %dma_wait3A_121 = arith.constant 0 : i32
      %dma_wait3A_122 = tpu.memref_slice %arg9[%dma_wait3A_120, %dma_wait3A_121] : memref<10x80xi32, #tpu.memory_space<vmem>> -> memref<5x80xi32, #tpu.memory_space<vmem>>
      %dma_wait3A_123 = arith.constant 0 : i32
      %dma_wait3A_124 = arith.constant 0 : i32
      %dma_wait3A_125 = tpu.memref_slice %arg5[%add3A, %run_scoped3A_50, %dma_wait3A_123, %dma_wait3A_124] : memref<32x25x5x80xi32, #tpu.memory_space<hbm>> -> memref<1x1x5x80xi32, #tpu.memory_space<hbm>>
      %dma_wait3A_126 = tpu.memref_squeeze %dma_wait3A_125 : memref<1x1x5x80xi32, #tpu.memory_space<hbm>> -> memref<5x80xi32, #tpu.memory_space<hbm>>
      %dma_wait3A_127 = arith.constant 0 : i32
      %dma_wait3A_128 = arith.constant 0 : i32
      %dma_wait3A_129 = tpu.memref_slice %arg9[%dma_wait3A_127, %dma_wait3A_128] : memref<10x80xi32, #tpu.memory_space<vmem>> -> memref<5x80xi32, #tpu.memory_space<vmem>>
      %dma_wait3A_130 = arith.constant 0 : i32
      %dma_wait3A_131 = arith.constant 0 : i32
      %dma_wait3A_132 = tpu.memref_slice %arg5[%add3A, %run_scoped3A_50, %dma_wait3A_130, %dma_wait3A_131] : memref<32x25x5x80xi32, #tpu.memory_space<hbm>> -> memref<1x1x5x80xi32, #tpu.memory_space<hbm>>
      %dma_wait3A_133 = tpu.memref_squeeze %dma_wait3A_132 : memref<1x1x5x80xi32, #tpu.memory_space<hbm>> -> memref<5x80xi32, #tpu.memory_space<hbm>>
      tpu.wait_dma2 semaphore(%run_scoped3A_105 : memref<!tpu.dma_semaphore, #tpu.memory_space<semaphore_mem>>) src(%dma_wait3A_133 : memref<5x80xi32, #tpu.memory_space<hbm>>) dst(%dma_wait3A_129 : memref<5x80xi32, #tpu.memory_space<vmem>>)
      tpu.yield
    }) : () -> ()
    %run_scoped3A_51 = arith.constant 0 : i32
    "tpu.region"() ({
      %run_scoped3A_105 = tpu.sem_alloc : memref<!tpu.dma_semaphore, #tpu.memory_space<semaphore_mem>>
      %dma_start3A_106 = arith.constant 0 : i32
      %dma_start3A_107 = arith.constant 0 : i32
      %dma_start3A_108 = tpu.memref_slice %arg10[%dma_start3A_106, %dma_start3A_107] : memref<10x80xf32, #tpu.memory_space<vmem>> -> memref<5x80xf32, #tpu.memory_space<vmem>>
      %dma_start3A_109 = arith.constant 0 : i32
      %dma_start3A_110 = arith.constant 0 : i32
      %dma_start3A_111 = tpu.memref_slice %arg6[%add3A, %run_scoped3A_51, %dma_start3A_109, %dma_start3A_110] : memref<32x25x5x80xf32, #tpu.memory_space<hbm>> -> memref<1x1x5x80xf32, #tpu.memory_space<hbm>>
      %dma_start3A_112 = tpu.memref_squeeze %dma_start3A_111 : memref<1x1x5x80xf32, #tpu.memory_space<hbm>> -> memref<5x80xf32, #tpu.memory_space<hbm>>
      %dma_start3A_113 = arith.constant 0 : i32
      %dma_start3A_114 = arith.constant 0 : i32
      %dma_start3A_115 = tpu.memref_slice %arg10[%dma_start3A_113, %dma_start3A_114] : memref<10x80xf32, #tpu.memory_space<vmem>> -> memref<5x80xf32, #tpu.memory_space<vmem>>
      %dma_start3A_116 = arith.constant 0 : i32
      %dma_start3A_117 = arith.constant 0 : i32
      %dma_start3A_118 = tpu.memref_slice %arg6[%add3A, %run_scoped3A_51, %dma_start3A_116, %dma_start3A_117] : memref<32x25x5x80xf32, #tpu.memory_space<hbm>> -> memref<1x1x5x80xf32, #tpu.memory_space<hbm>>
      %dma_start3A_119 = tpu.memref_squeeze %dma_start3A_118 : memref<1x1x5x80xf32, #tpu.memory_space<hbm>> -> memref<5x80xf32, #tpu.memory_space<hbm>>
      tpu.enqueue_dma source(%dma_start3A_119 : memref<5x80xf32, #tpu.memory_space<hbm>>) target(%dma_start3A_115 : memref<5x80xf32, #tpu.memory_space<vmem>>) target_semaphore(%run_scoped3A_105 : memref<!tpu.dma_semaphore, #tpu.memory_space<semaphore_mem>>)
      %dma_wait3A_120 = arith.constant 0 : i32
      %dma_wait3A_121 = arith.constant 0 : i32
      %dma_wait3A_122 = tpu.memref_slice %arg10[%dma_wait3A_120, %dma_wait3A_121] : memref<10x80xf32, #tpu.memory_space<vmem>> -> memref<5x80xf32, #tpu.memory_space<vmem>>
      %dma_wait3A_123 = arith.constant 0 : i32
      %dma_wait3A_124 = arith.constant 0 : i32
      %dma_wait3A_125 = tpu.memref_slice %arg6[%add3A, %run_scoped3A_51, %dma_wait3A_123, %dma_wait3A_124] : memref<32x25x5x80xf32, #tpu.memory_space<hbm>> -> memref<1x1x5x80xf32, #tpu.memory_space<hbm>>
      %dma_wait3A_126 = tpu.memref_squeeze %dma_wait3A_125 : memref<1x1x5x80xf32, #tpu.memory_space<hbm>> -> memref<5x80xf32, #tpu.memory_space<hbm>>
      %dma_wait3A_127 = arith.constant 0 : i32
      %dma_wait3A_128 = arith.constant 0 : i32
      %dma_wait3A_129 = tpu.memref_slice %arg10[%dma_wait3A_127, %dma_wait3A_128] : memref<10x80xf32, #tpu.memory_space<vmem>> -> memref<5x80xf32, #tpu.memory_space<vmem>>
      %dma_wait3A_130 = arith.constant 0 : i32
      %dma_wait3A_131 = arith.constant 0 : i32
      %dma_wait3A_132 = tpu.memref_slice %arg6[%add3A, %run_scoped3A_51, %dma_wait3A_130, %dma_wait3A_131] : memref<32x25x5x80xf32, #tpu.memory_space<hbm>> -> memref<1x1x5x80xf32, #tpu.memory_space<hbm>>
      %dma_wait3A_133 = tpu.memref_squeeze %dma_wait3A_132 : memref<1x1x5x80xf32, #tpu.memory_space<hbm>> -> memref<5x80xf32, #tpu.memory_space<hbm>>
      tpu.wait_dma2 semaphore(%run_scoped3A_105 : memref<!tpu.dma_semaphore, #tpu.memory_space<semaphore_mem>>) src(%dma_wait3A_133 : memref<5x80xf32, #tpu.memory_space<hbm>>) dst(%dma_wait3A_129 : memref<5x80xf32, #tpu.memory_space<vmem>>)
      tpu.yield
    }) : () -> ()
    %dma_start3A = arith.constant 0 : i32
    %dma_start3A_52 = arith.constant 0 : i32
    %dma_start3A_53 = arith.constant 0 : i32
    %dma_start3A_54 = arith.constant 0 : i32
    %dma_start3A_55 = tpu.memref_slice %arg13[%dma_start3A_52, %dma_start3A_53, %dma_start3A_54] : memref<3x80x128xf32, #tpu.memory_space<vmem>> -> memref<1x80x128xf32, #tpu.memory_space<vmem>>
    %dma_start3A_56 = tpu.memref_squeeze %dma_start3A_55 : memref<1x80x128xf32, #tpu.memory_space<vmem>> -> memref<80x128xf32, #tpu.memory_space<vmem>>
    %dma_start3A_57 = arith.constant 0 : i32
    %dma_start3A_58 = tpu.memref_slice %arg8[%dma_start3A, %dma_start3A_57] : memref<10x80xi32, #tpu.memory_space<vmem>> -> memref<1x80xi32, #tpu.memory_space<vmem>>
    %dma_start3A_59 = tpu.memref_squeeze %dma_start3A_58 : memref<1x80xi32, #tpu.memory_space<vmem>> -> memref<80xi32, #tpu.memory_space<vmem>>
    %dma_start3A_60 = arith.constant 0 : i32
    %dma_start3A_61 = arith.constant 0 : i32
    %dma_start3A_62 = tpu.memref_slice %arg2[%dma_start3A_60, %dma_start3A_61] : memref<10000x128xf32, #tpu.memory_space<hbm>> -> memref<10000x128xf32, #tpu.memory_space<hbm>>
    tpu.enqueue_indirect_dma source(%dma_start3A_62 : memref<10000x128xf32, #tpu.memory_space<hbm>>) target(%dma_start3A_56 : memref<80x128xf32, #tpu.memory_space<vmem>>) offsets(%dma_start3A_59 : memref<80xi32, #tpu.memory_space<vmem>>) semaphore(%arg15 : memref<!tpu.dma_semaphore, #tpu.memory_space<semaphore_mem>>)
    %dma_start3A_63 = arith.constant 0 : i32
    %dma_start3A_64 = arith.constant 0 : i32
    %dma_start3A_65 = arith.constant 0 : i32
    %dma_start3A_66 = tpu.memref_slice %arg12[%dma_start3A_64, %dma_start3A_65] : memref<3x80xf32, #tpu.memory_space<vmem>> -> memref<1x80xf32, #tpu.memory_space<vmem>>
    %dma_start3A_67 = tpu.memref_squeeze %dma_start3A_66 : memref<1x80xf32, #tpu.memory_space<vmem>> -> memref<80xf32, #tpu.memory_space<vmem>>
    %dma_start3A_68 = arith.constant 0 : i32
    %dma_start3A_69 = tpu.memref_slice %arg8[%dma_start3A_63, %dma_start3A_68] : memref<10x80xi32, #tpu.memory_space<vmem>> -> memref<1x80xi32, #tpu.memory_space<vmem>>
    %dma_start3A_70 = tpu.memref_squeeze %dma_start3A_69 : memref<1x80xi32, #tpu.memory_space<vmem>> -> memref<80xi32, #tpu.memory_space<vmem>>
    %dma_start3A_71 = arith.constant 0 : i32
    %dma_start3A_72 = tpu.memref_slice %arg3[%dma_start3A_71] : memref<10000xf32, #tpu.memory_space<hbm>> -> memref<10000xf32, #tpu.memory_space<hbm>>
    tpu.enqueue_indirect_dma source(%dma_start3A_72 : memref<10000xf32, #tpu.memory_space<hbm>>) target(%dma_start3A_67 : memref<80xf32, #tpu.memory_space<vmem>>) offsets(%dma_start3A_70 : memref<80xi32, #tpu.memory_space<vmem>>) semaphore(%arg17 : memref<!tpu.dma_semaphore, #tpu.memory_space<semaphore_mem>>)
    %scan3A_73 = arith.constant 0 : i32
    %scan3A_74 = arith.constant 0 : i32
    %scan3A_75 = arith.constant 125 : i32
    %scan3A_76 = arith.addi %scan3A_74, %scan3A_75 : i32
    %scan3A_77 = arith.constant 1 : i32
    %scan3A_78 = scf.for %scan3A_105 = %scan3A_74 to %scan3A_76 step %scan3A_77 iter_args(%scan3A_106 = %scan3A_73) -> (i32)  : i32 {
      %rem3A_107 = arith.constant 3 : i32
      %rem3A_108 = arith.remsi %scan3A_105, %rem3A_107 : i32
      %dma_wait3A_109 = arith.constant 0 : i32
      %dma_wait3A_110 = arith.constant 0 : i32
      %dma_wait3A_111 = tpu.memref_slice %arg13[%rem3A_108, %dma_wait3A_109, %dma_wait3A_110] : memref<3x80x128xf32, #tpu.memory_space<vmem>> -> memref<1x80x128xf32, #tpu.memory_space<vmem>>
      %dma_wait3A_112 = tpu.memref_squeeze %dma_wait3A_111 : memref<1x80x128xf32, #tpu.memory_space<vmem>> -> memref<80x128xf32, #tpu.memory_space<vmem>>
      %dma_wait3A_113 = arith.constant 0 : i32
      %dma_wait3A_114 = arith.constant 0 : i32
      %dma_wait3A_115 = tpu.memref_slice %arg2[%dma_wait3A_113, %dma_wait3A_114] : memref<10000x128xf32, #tpu.memory_space<hbm>> -> memref<80x128xf32, #tpu.memory_space<hbm>>
      %dma_wait3A_116 = arith.constant 0 : i32
      %dma_wait3A_117 = arith.constant 0 : i32
      %dma_wait3A_118 = tpu.memref_slice %arg13[%rem3A_108, %dma_wait3A_116, %dma_wait3A_117] : memref<3x80x128xf32, #tpu.memory_space<vmem>> -> memref<1x80x128xf32, #tpu.memory_space<vmem>>
      %dma_wait3A_119 = tpu.memref_squeeze %dma_wait3A_118 : memref<1x80x128xf32, #tpu.memory_space<vmem>> -> memref<80x128xf32, #tpu.memory_space<vmem>>
      %dma_wait3A_120 = arith.constant 0 : i32
      %dma_wait3A_121 = arith.constant 0 : i32
      %dma_wait3A_122 = tpu.memref_slice %arg2[%dma_wait3A_120, %dma_wait3A_121] : memref<10000x128xf32, #tpu.memory_space<hbm>> -> memref<80x128xf32, #tpu.memory_space<hbm>>
      tpu.wait_dma2 semaphore(%arg15 : memref<!tpu.dma_semaphore, #tpu.memory_space<semaphore_mem>>) src(%dma_wait3A_122 : memref<80x128xf32, #tpu.memory_space<hbm>>) dst(%dma_wait3A_119 : memref<80x128xf32, #tpu.memory_space<vmem>>)
      %dma_wait3A_123 = arith.constant 0 : i32
      %dma_wait3A_124 = tpu.memref_slice %arg12[%rem3A_108, %dma_wait3A_123] : memref<3x80xf32, #tpu.memory_space<vmem>> -> memref<1x80xf32, #tpu.memory_space<vmem>>
      %dma_wait3A_125 = tpu.memref_squeeze %dma_wait3A_124 : memref<1x80xf32, #tpu.memory_space<vmem>> -> memref<80xf32, #tpu.memory_space<vmem>>
      %dma_wait3A_126 = arith.constant 0 : i32
      %dma_wait3A_127 = tpu.memref_slice %arg3[%dma_wait3A_126] : memref<10000xf32, #tpu.memory_space<hbm>> -> memref<80xf32, #tpu.memory_space<hbm>>
      %dma_wait3A_128 = arith.constant 0 : i32
      %dma_wait3A_129 = tpu.memref_slice %arg12[%rem3A_108, %dma_wait3A_128] : memref<3x80xf32, #tpu.memory_space<vmem>> -> memref<1x80xf32, #tpu.memory_space<vmem>>
      %dma_wait3A_130 = tpu.memref_squeeze %dma_wait3A_129 : memref<1x80xf32, #tpu.memory_space<vmem>> -> memref<80xf32, #tpu.memory_space<vmem>>
      %dma_wait3A_131 = arith.constant 0 : i32
      %dma_wait3A_132 = tpu.memref_slice %arg3[%dma_wait3A_131] : memref<10000xf32, #tpu.memory_space<hbm>> -> memref<80xf32, #tpu.memory_space<hbm>>
      tpu.wait_dma2 semaphore(%arg17 : memref<!tpu.dma_semaphore, #tpu.memory_space<semaphore_mem>>) src(%dma_wait3A_132 : memref<80xf32, #tpu.memory_space<hbm>>) dst(%dma_wait3A_130 : memref<80xf32, #tpu.memory_space<vmem>>)
      %add3A_133 = arith.constant 1 : i32
      %add3A_134 = arith.addi %scan3A_105, %add3A_133 : i32
      %lt3A = arith.constant 125 : i32
      %lt3A_135 = arith.cmpi slt, %add3A_134, %lt3A : i32
      %convert_element_type3A_136 = arith.extui %lt3A_135 : i1 to i32
      %cond3A_137 = arith.constant 0 : i32
      %cond3A_138 = arith.cmpi ne, %convert_element_type3A_136, %cond3A_137 : i32
      scf.if %cond3A_138 {
        %add3A_176 = arith.constant 1 : i32
        %add3A_177 = arith.addi %scan3A_105, %add3A_176 : i32
        %rem3A_178 = arith.constant 10 : i32
        %rem3A_179 = arith.remsi %add3A_177, %rem3A_178 : i32
        %add3A_180 = arith.constant 1 : i32
        %add3A_181 = arith.addi %scan3A_105, %add3A_180 : i32
        %rem3A_182 = arith.constant 3 : i32
        %rem3A_183 = arith.remsi %add3A_181, %rem3A_182 : i32
        %dma_start3A_184 = arith.constant 0 : i32
        %dma_start3A_185 = arith.constant 0 : i32
        %dma_start3A_186 = tpu.memref_slice %arg13[%rem3A_183, %dma_start3A_184, %dma_start3A_185] : memref<3x80x128xf32, #tpu.memory_space<vmem>> -> memref<1x80x128xf32, #tpu.memory_space<vmem>>
        %dma_start3A_187 = tpu.memref_squeeze %dma_start3A_186 : memref<1x80x128xf32, #tpu.memory_space<vmem>> -> memref<80x128xf32, #tpu.memory_space<vmem>>
        %dma_start3A_188 = arith.constant 0 : i32
        %dma_start3A_189 = tpu.memref_slice %arg8[%rem3A_179, %dma_start3A_188] : memref<10x80xi32, #tpu.memory_space<vmem>> -> memref<1x80xi32, #tpu.memory_space<vmem>>
        %dma_start3A_190 = tpu.memref_squeeze %dma_start3A_189 : memref<1x80xi32, #tpu.memory_space<vmem>> -> memref<80xi32, #tpu.memory_space<vmem>>
        %dma_start3A_191 = arith.constant 0 : i32
        %dma_start3A_192 = arith.constant 0 : i32
        %dma_start3A_193 = tpu.memref_slice %arg2[%dma_start3A_191, %dma_start3A_192] : memref<10000x128xf32, #tpu.memory_space<hbm>> -> memref<10000x128xf32, #tpu.memory_space<hbm>>
        tpu.enqueue_indirect_dma source(%dma_start3A_193 : memref<10000x128xf32, #tpu.memory_space<hbm>>) target(%dma_start3A_187 : memref<80x128xf32, #tpu.memory_space<vmem>>) offsets(%dma_start3A_190 : memref<80xi32, #tpu.memory_space<vmem>>) semaphore(%arg15 : memref<!tpu.dma_semaphore, #tpu.memory_space<semaphore_mem>>)
        %dma_start3A_194 = arith.constant 0 : i32
        %dma_start3A_195 = tpu.memref_slice %arg12[%rem3A_183, %dma_start3A_194] : memref<3x80xf32, #tpu.memory_space<vmem>> -> memref<1x80xf32, #tpu.memory_space<vmem>>
        %dma_start3A_196 = tpu.memref_squeeze %dma_start3A_195 : memref<1x80xf32, #tpu.memory_space<vmem>> -> memref<80xf32, #tpu.memory_space<vmem>>
        %dma_start3A_197 = arith.constant 0 : i32
        %dma_start3A_198 = tpu.memref_slice %arg8[%rem3A_179, %dma_start3A_197] : memref<10x80xi32, #tpu.memory_space<vmem>> -> memref<1x80xi32, #tpu.memory_space<vmem>>
        %dma_start3A_199 = tpu.memref_squeeze %dma_start3A_198 : memref<1x80xi32, #tpu.memory_space<vmem>> -> memref<80xi32, #tpu.memory_space<vmem>>
        %dma_start3A_200 = arith.constant 0 : i32
        %dma_start3A_201 = tpu.memref_slice %arg3[%dma_start3A_200] : memref<10000xf32, #tpu.memory_space<hbm>> -> memref<10000xf32, #tpu.memory_space<hbm>>
        tpu.enqueue_indirect_dma source(%dma_start3A_201 : memref<10000xf32, #tpu.memory_space<hbm>>) target(%dma_start3A_196 : memref<80xf32, #tpu.memory_space<vmem>>) offsets(%dma_start3A_199 : memref<80xi32, #tpu.memory_space<vmem>>) semaphore(%arg17 : memref<!tpu.dma_semaphore, #tpu.memory_space<semaphore_mem>>)
      } else {
      }
      %scan3A_139 = arith.constant 0 : i32
      %scan3A_140 = arith.constant 0 : i32
      %scan3A_141 = arith.constant 5 : i32
      %scan3A_142 = arith.addi %scan3A_140, %scan3A_141 : i32
      %scan3A_143 = arith.constant 1 : i32
      %scan3A_144 = scf.for %scan3A_176 = %scan3A_140 to %scan3A_142 step %scan3A_143 iter_args(%scan3A_177 = %scan3A_139) -> (i32)  : i32 {
        %mul3A_178 = arith.constant 16 : i32
        %mul3A_179 = arith.muli %scan3A_176, %mul3A_178 : i32
        %get3A = arith.index_cast %rem3A_108 : i32 to index
        %get3A_180 = arith.index_cast %mul3A_179 : i32 to index
        %get3A_181 = tpu.vector_load %arg12[%get3A, %get3A_180] {strides = array<i32>} : memref<3x80xf32, #tpu.memory_space<vmem>>, vector<16xf32>,
        %rem3A_182 = arith.constant 10 : i32
        %rem3A_183 = arith.remsi %scan3A_105, %rem3A_182 : i32
        %get3A_184 = arith.index_cast %rem3A_183 : i32 to index
        %get3A_185 = arith.index_cast %mul3A_179 : i32 to index
        %get3A_186 = tpu.vector_load %arg10[%get3A_184, %get3A_185] {strides = array<i32>} : memref<10x80xf32, #tpu.memory_space<vmem>>, vector<16xf32>,
        %mul3A_187 = arith.mulf %get3A_181, %get3A_186 : vector<16xf32>
        %swap3A = arith.index_cast %mul3A_179 : i32 to index
        %swap3A_188 = tpu.vector_load %arg11[%swap3A] {strides = array<i32>} : memref<80xf32, #tpu.memory_space<vmem>>, vector<16xf32>,
        tpu.vector_store %arg11[%swap3A], %mul3A_187 {strides = array<i32>} : memref<80xf32, #tpu.memory_space<vmem>>, vector<16xf32>,
        %scan3A_189 = arith.constant 0 : i32
        scf.yield %scan3A_189 : i32
      }
      %scan3A_145 = arith.constant 5 : i32
      %parallel_loop3A = arith.constant 0 : i32
      %parallel_loop3A_146 = arith.constant 80 : i32
      %parallel_loop3A_147 = arith.constant 1 : i32
      scf.for %parallel_loop3A_176 = %parallel_loop3A to %parallel_loop3A_146 step %parallel_loop3A_147  : i32 {
        %parallel_loop3A_177 = vector.broadcast %parallel_loop3A_176 : i32 to vector<16xi32>
        %parallel_loop3A_178 = tpu.vector_load_idx %arg11[%parallel_loop3A_177] : memref<80xf32, #tpu.memory_space<vmem>>[vector<16xi32>], vector<16xf32>,
        %parallel_loop3A_179 = arith.index_cast %rem3A_108 : i32 to index
        %parallel_loop3A_180 = arith.index_cast %parallel_loop3A_176 : i32 to index
        %parallel_loop3A_181 = arith.constant 0 : index
        %parallel_loop3A_182 = tpu.vector_load %arg13[%parallel_loop3A_179, %parallel_loop3A_180, %parallel_loop3A_181] {strides = array<i32>} : memref<3x80x128xf32, #tpu.memory_space<vmem>>, vector<16xf32>,
        %parallel_loop3A_183 = arith.mulf %parallel_loop3A_182, %parallel_loop3A_178 : vector<16xf32>
        %parallel_loop3A_184 = arith.index_cast %rem3A_108 : i32 to index
        %parallel_loop3A_185 = arith.index_cast %parallel_loop3A_176 : i32 to index
        %parallel_loop3A_186 = arith.constant 0 : index
        %parallel_loop3A_187 = tpu.vector_load %arg13[%parallel_loop3A_184, %parallel_loop3A_185, %parallel_loop3A_186] {strides = array<i32>} : memref<3x80x128xf32, #tpu.memory_space<vmem>>, vector<16xf32>,
        tpu.vector_store %arg13[%parallel_loop3A_184, %parallel_loop3A_185, %parallel_loop3A_186], %parallel_loop3A_183 {strides = array<i32>} : memref<3x80x128xf32, #tpu.memory_space<vmem>>, vector<16xf32>,
        %parallel_loop3A_188 = arith.index_cast %rem3A_108 : i32 to index
        %parallel_loop3A_189 = arith.index_cast %parallel_loop3A_176 : i32 to index
        %parallel_loop3A_190 = arith.constant 16 : index
        %parallel_loop3A_191 = tpu.vector_load %arg13[%parallel_loop3A_188, %parallel_loop3A_189, %parallel_loop3A_190] {strides = array<i32>} : memref<3x80x128xf32, #tpu.memory_space<vmem>>, vector<16xf32>,
        %parallel_loop3A_192 = arith.mulf %parallel_loop3A_191, %parallel_loop3A_178 : vector<16xf32>
        %parallel_loop3A_193 = arith.index_cast %rem3A_108 : i32 to index
        %parallel_loop3A_194 = arith.index_cast %parallel_loop3A_176 : i32 to index
        %parallel_loop3A_195 = arith.constant 16 : index
        %parallel_loop3A_196 = tpu.vector_load %arg13[%parallel_loop3A_193, %parallel_loop3A_194, %parallel_loop3A_195] {strides = array<i32>} : memref<3x80x128xf32, #tpu.memory_space<vmem>>, vector<16xf32>,
        tpu.vector_store %arg13[%parallel_loop3A_193, %parallel_loop3A_194, %parallel_loop3A_195], %parallel_loop3A_192 {strides = array<i32>} : memref<3x80x128xf32, #tpu.memory_space<vmem>>, vector<16xf32>,
        %parallel_loop3A_197 = arith.index_cast %rem3A_108 : i32 to index
        %parallel_loop3A_198 = arith.index_cast %parallel_loop3A_176 : i32 to index
        %parallel_loop3A_199 = arith.constant 32 : index
        %parallel_loop3A_200 = tpu.vector_load %arg13[%parallel_loop3A_197, %parallel_loop3A_198, %parallel_loop3A_199] {strides = array<i32>} : memref<3x80x128xf32, #tpu.memory_space<vmem>>, vector<16xf32>,
        %parallel_loop3A_201 = arith.mulf %parallel_loop3A_200, %parallel_loop3A_178 : vector<16xf32>
        %parallel_loop3A_202 = arith.index_cast %rem3A_108 : i32 to index
        %parallel_loop3A_203 = arith.index_cast %parallel_loop3A_176 : i32 to index
        %parallel_loop3A_204 = arith.constant 32 : index
        %parallel_loop3A_205 = tpu.vector_load %arg13[%parallel_loop3A_202, %parallel_loop3A_203, %parallel_loop3A_204] {strides = array<i32>} : memref<3x80x128xf32, #tpu.memory_space<vmem>>, vector<16xf32>,
        tpu.vector_store %arg13[%parallel_loop3A_202, %parallel_loop3A_203, %parallel_loop3A_204], %parallel_loop3A_201 {strides = array<i32>} : memref<3x80x128xf32, #tpu.memory_space<vmem>>, vector<16xf32>,
        %parallel_loop3A_206 = arith.index_cast %rem3A_108 : i32 to index
        %parallel_loop3A_207 = arith.index_cast %parallel_loop3A_176 : i32 to index
        %parallel_loop3A_208 = arith.constant 48 : index
        %parallel_loop3A_209 = tpu.vector_load %arg13[%parallel_loop3A_206, %parallel_loop3A_207, %parallel_loop3A_208] {strides = array<i32>} : memref<3x80x128xf32, #tpu.memory_space<vmem>>, vector<16xf32>,
        %parallel_loop3A_210 = arith.mulf %parallel_loop3A_209, %parallel_loop3A_178 : vector<16xf32>
        %parallel_loop3A_211 = arith.index_cast %rem3A_108 : i32 to index
        %parallel_loop3A_212 = arith.index_cast %parallel_loop3A_176 : i32 to index
        %parallel_loop3A_213 = arith.constant 48 : index
        %parallel_loop3A_214 = tpu.vector_load %arg13[%parallel_loop3A_211, %parallel_loop3A_212, %parallel_loop3A_213] {strides = array<i32>} : memref<3x80x128xf32, #tpu.memory_space<vmem>>, vector<16xf32>,
        tpu.vector_store %arg13[%parallel_loop3A_211, %parallel_loop3A_212, %parallel_loop3A_213], %parallel_loop3A_210 {strides = array<i32>} : memref<3x80x128xf32, #tpu.memory_space<vmem>>, vector<16xf32>,
        %parallel_loop3A_215 = arith.index_cast %rem3A_108 : i32 to index
        %parallel_loop3A_216 = arith.index_cast %parallel_loop3A_176 : i32 to index
        %parallel_loop3A_217 = arith.constant 64 : index
        %parallel_loop3A_218 = tpu.vector_load %arg13[%parallel_loop3A_215, %parallel_loop3A_216, %parallel_loop3A_217] {strides = array<i32>} : memref<3x80x128xf32, #tpu.memory_space<vmem>>, vector<16xf32>,
        %parallel_loop3A_219 = arith.mulf %parallel_loop3A_218, %parallel_loop3A_178 : vector<16xf32>
        %parallel_loop3A_220 = arith.index_cast %rem3A_108 : i32 to index
        %parallel_loop3A_221 = arith.index_cast %parallel_loop3A_176 : i32 to index
        %parallel_loop3A_222 = arith.constant 64 : index
        %parallel_loop3A_223 = tpu.vector_load %arg13[%parallel_loop3A_220, %parallel_loop3A_221, %parallel_loop3A_222] {strides = array<i32>} : memref<3x80x128xf32, #tpu.memory_space<vmem>>, vector<16xf32>,
        tpu.vector_store %arg13[%parallel_loop3A_220, %parallel_loop3A_221, %parallel_loop3A_222], %parallel_loop3A_219 {strides = array<i32>} : memref<3x80x128xf32, #tpu.memory_space<vmem>>, vector<16xf32>,
        %parallel_loop3A_224 = arith.index_cast %rem3A_108 : i32 to index
        %parallel_loop3A_225 = arith.index_cast %parallel_loop3A_176 : i32 to index
        %parallel_loop3A_226 = arith.constant 80 : index
        %parallel_loop3A_227 = tpu.vector_load %arg13[%parallel_loop3A_224, %parallel_loop3A_225, %parallel_loop3A_226] {strides = array<i32>} : memref<3x80x128xf32, #tpu.memory_space<vmem>>, vector<16xf32>,
        %parallel_loop3A_228 = arith.mulf %parallel_loop3A_227, %parallel_loop3A_178 : vector<16xf32>
        %parallel_loop3A_229 = arith.index_cast %rem3A_108 : i32 to index
        %parallel_loop3A_230 = arith.index_cast %parallel_loop3A_176 : i32 to index
        %parallel_loop3A_231 = arith.constant 80 : index
        %parallel_loop3A_232 = tpu.vector_load %arg13[%parallel_loop3A_229, %parallel_loop3A_230, %parallel_loop3A_231] {strides = array<i32>} : memref<3x80x128xf32, #tpu.memory_space<vmem>>, vector<16xf32>,
        tpu.vector_store %arg13[%parallel_loop3A_229, %parallel_loop3A_230, %parallel_loop3A_231], %parallel_loop3A_228 {strides = array<i32>} : memref<3x80x128xf32, #tpu.memory_space<vmem>>, vector<16xf32>,
        %parallel_loop3A_233 = arith.index_cast %rem3A_108 : i32 to index
        %parallel_loop3A_234 = arith.index_cast %parallel_loop3A_176 : i32 to index
        %parallel_loop3A_235 = arith.constant 96 : index
        %parallel_loop3A_236 = tpu.vector_load %arg13[%parallel_loop3A_233, %parallel_loop3A_234, %parallel_loop3A_235] {strides = array<i32>} : memref<3x80x128xf32, #tpu.memory_space<vmem>>, vector<16xf32>,
        %parallel_loop3A_237 = arith.mulf %parallel_loop3A_236, %parallel_loop3A_178 : vector<16xf32>
        %parallel_loop3A_238 = arith.index_cast %rem3A_108 : i32 to index
        %parallel_loop3A_239 = arith.index_cast %parallel_loop3A_176 : i32 to index
        %parallel_loop3A_240 = arith.constant 96 : index
        %parallel_loop3A_241 = tpu.vector_load %arg13[%parallel_loop3A_238, %parallel_loop3A_239, %parallel_loop3A_240] {strides = array<i32>} : memref<3x80x128xf32, #tpu.memory_space<vmem>>, vector<16xf32>,
        tpu.vector_store %arg13[%parallel_loop3A_238, %parallel_loop3A_239, %parallel_loop3A_240], %parallel_loop3A_237 {strides = array<i32>} : memref<3x80x128xf32, #tpu.memory_space<vmem>>, vector<16xf32>,
        %parallel_loop3A_242 = arith.index_cast %rem3A_108 : i32 to index
        %parallel_loop3A_243 = arith.index_cast %parallel_loop3A_176 : i32 to index
        %parallel_loop3A_244 = arith.constant 112 : index
        %parallel_loop3A_245 = tpu.vector_load %arg13[%parallel_loop3A_242, %parallel_loop3A_243, %parallel_loop3A_244] {strides = array<i32>} : memref<3x80x128xf32, #tpu.memory_space<vmem>>, vector<16xf32>,
        %parallel_loop3A_246 = arith.mulf %parallel_loop3A_245, %parallel_loop3A_178 : vector<16xf32>
        %parallel_loop3A_247 = arith.index_cast %rem3A_108 : i32 to index
        %parallel_loop3A_248 = arith.index_cast %parallel_loop3A_176 : i32 to index
        %parallel_loop3A_249 = arith.constant 112 : index
        %parallel_loop3A_250 = tpu.vector_load %arg13[%parallel_loop3A_247, %parallel_loop3A_248, %parallel_loop3A_249] {strides = array<i32>} : memref<3x80x128xf32, #tpu.memory_space<vmem>>, vector<16xf32>,
        tpu.vector_store %arg13[%parallel_loop3A_247, %parallel_loop3A_248, %parallel_loop3A_249], %parallel_loop3A_246 {strides = array<i32>} : memref<3x80x128xf32, #tpu.memory_space<vmem>>, vector<16xf32>,
      } {sc.loop_unroll_factor = 8 : i64, sc.parallel_access}
      %ge3A = arith.constant 1 : i32
      %ge3A_148 = arith.cmpi sge, %scan3A_105, %ge3A : i32
      %convert_element_type3A_149 = arith.extui %ge3A_148 : i1 to i32
      %cond3A_150 = arith.constant 0 : i32
      %cond3A_151 = arith.cmpi ne, %convert_element_type3A_149, %cond3A_150 : i32
      scf.if %cond3A_151 {
        %add3A_176 = arith.constant 2 : i32
        %add3A_177 = arith.addi %scan3A_105, %add3A_176 : i32
        %rem3A_178 = arith.constant 3 : i32
        %rem3A_179 = arith.remsi %add3A_177, %rem3A_178 : i32
        %dma_wait3A_180 = arith.constant 0 : i32
        %dma_wait3A_181 = arith.constant 0 : i32
        %dma_wait3A_182 = tpu.memref_slice %arg13[%rem3A_179, %dma_wait3A_180, %dma_wait3A_181] : memref<3x80x128xf32, #tpu.memory_space<vmem>> -> memref<1x80x128xf32, #tpu.memory_space<vmem>>
        %dma_wait3A_183 = tpu.memref_squeeze %dma_wait3A_182 : memref<1x80x128xf32, #tpu.memory_space<vmem>> -> memref<80x128xf32, #tpu.memory_space<vmem>>
        %dma_wait3A_184 = arith.constant 0 : i32
        %dma_wait3A_185 = arith.constant 0 : i32
        %dma_wait3A_186 = tpu.memref_slice %arg14[%dma_wait3A_184, %dma_wait3A_185] : memref<10000x128xf32, #tpu.memory_space<vmem_shared>> -> memref<80x128xf32, #tpu.memory_space<vmem_shared>>
        %dma_wait3A_187 = arith.constant 0 : i32
        %dma_wait3A_188 = arith.constant 0 : i32
        %dma_wait3A_189 = tpu.memref_slice %arg14[%dma_wait3A_187, %dma_wait3A_188] : memref<10000x128xf32, #tpu.memory_space<vmem_shared>> -> memref<80x128xf32, #tpu.memory_space<vmem_shared>>
        %dma_wait3A_190 = arith.constant 0 : i32
        %dma_wait3A_191 = arith.constant 0 : i32
        %dma_wait3A_192 = tpu.memref_slice %arg13[%rem3A_179, %dma_wait3A_190, %dma_wait3A_191] : memref<3x80x128xf32, #tpu.memory_space<vmem>> -> memref<1x80x128xf32, #tpu.memory_space<vmem>>
        %dma_wait3A_193 = tpu.memref_squeeze %dma_wait3A_192 : memref<1x80x128xf32, #tpu.memory_space<vmem>> -> memref<80x128xf32, #tpu.memory_space<vmem>>
        tpu.wait_dma2 semaphore(%arg16 : memref<!tpu.dma_semaphore, #tpu.memory_space<semaphore_mem>>) src(%dma_wait3A_193 : memref<80x128xf32, #tpu.memory_space<vmem>>) dst(%dma_wait3A_189 : memref<80x128xf32, #tpu.memory_space<vmem_shared>>)
      } else {
      }
      %rem3A_152 = arith.constant 10 : i32
      %rem3A_153 = arith.remsi %scan3A_105, %rem3A_152 : i32
      %dma_start3A_154 = arith.constant 0 : i32
      %dma_start3A_155 = arith.constant 0 : i32
      %dma_start3A_156 = tpu.memref_slice %arg13[%rem3A_108, %dma_start3A_154, %dma_start3A_155] : memref<3x80x128xf32, #tpu.memory_space<vmem>> -> memref<1x80x128xf32, #tpu.memory_space<vmem>>
      %dma_start3A_157 = tpu.memref_squeeze %dma_start3A_156 : memref<1x80x128xf32, #tpu.memory_space<vmem>> -> memref<80x128xf32, #tpu.memory_space<vmem>>
      %dma_start3A_158 = arith.constant 0 : i32
      %dma_start3A_159 = tpu.memref_slice %arg9[%rem3A_153, %dma_start3A_158] : memref<10x80xi32, #tpu.memory_space<vmem>> -> memref<1x80xi32, #tpu.memory_space<vmem>>
      %dma_start3A_160 = tpu.memref_squeeze %dma_start3A_159 : memref<1x80xi32, #tpu.memory_space<vmem>> -> memref<80xi32, #tpu.memory_space<vmem>>
      %dma_start3A_161 = arith.constant 0 : i32
      %dma_start3A_162 = arith.constant 0 : i32
      %dma_start3A_163 = tpu.memref_slice %arg14[%dma_start3A_161, %dma_start3A_162] : memref<10000x128xf32, #tpu.memory_space<vmem_shared>> -> memref<10000x128xf32, #tpu.memory_space<vmem_shared>>
      tpu.enqueue_indirect_dma source(%dma_start3A_157 : memref<80x128xf32, #tpu.memory_space<vmem>>) target(%dma_start3A_163 : memref<10000x128xf32, #tpu.memory_space<vmem_shared>>) offsets(%dma_start3A_160 : memref<80xi32, #tpu.memory_space<vmem>>) semaphore(%arg16 : memref<!tpu.dma_semaphore, #tpu.memory_space<semaphore_mem>>) {add = true}
      %rem3A_164 = arith.constant 5 : i32
      %rem3A_165 = arith.remsi %scan3A_105, %rem3A_164 : i32
      %eq3A_166 = arith.constant 3 : i32
      %eq3A_167 = arith.cmpi eq, %rem3A_165, %eq3A_166 : i32
      %add3A_168 = arith.constant 2 : i32
      %add3A_169 = arith.addi %scan3A_105, %add3A_168 : i32
      %lt3A_170 = arith.constant 125 : i32
      %lt3A_171 = arith.cmpi slt, %add3A_169, %lt3A_170 : i32
      %and3A = arith.andi %eq3A_167, %lt3A_171 : i1
      %convert_element_type3A_172 = arith.extui %and3A : i1 to i32
      %cond3A_173 = arith.constant 0 : i32
      %cond3A_174 = arith.cmpi ne, %convert_element_type3A_172, %cond3A_173 : i32
      scf.if %cond3A_174 {
        %jit3A = arith.constant 5 : i32
        %div3A = arith.divsi %scan3A_105, %jit3A : i32
        %sign3A = arith.constant 0 : i32
        %sign3A_176 = arith.cmpi sgt, %scan3A_105, %sign3A : i32
        %sign3A_177 = arith.extui %sign3A_176 : i1 to i32
        %sign3A_178 = arith.constant 0 : i32
        %sign3A_179 = arith.cmpi slt, %scan3A_105, %sign3A_178 : i32
        %sign3A_180 = arith.extui %sign3A_179 : i1 to i32
        %sign3A_181 = arith.subi %sign3A_177, %sign3A_180 : i32
        %sign3A_182 = arith.constant 0 : i32
        %sign3A_183 = arith.cmpi sgt, %jit3A, %sign3A_182 : i32
        %sign3A_184 = arith.extui %sign3A_183 : i1 to i32
        %sign3A_185 = arith.constant 0 : i32
        %sign3A_186 = arith.cmpi slt, %jit3A, %sign3A_185 : i32
        %sign3A_187 = arith.extui %sign3A_186 : i1 to i32
        %sign3A_188 = arith.subi %sign3A_184, %sign3A_187 : i32
        %ne3A = arith.cmpi ne, %sign3A_181, %sign3A_188 : i32
        %rem3A_189 = arith.remsi %scan3A_105, %jit3A : i32
        %ne3A_190 = arith.constant 0 : i32
        %ne3A_191 = arith.cmpi ne, %rem3A_189, %ne3A_190 : i32
        %and3A_192 = arith.andi %ne3A, %ne3A_191 : i1
        %sub3A = arith.constant 1 : i32
        %sub3A_193 = arith.subi %div3A, %sub3A : i32
        %select_n3A = arith.select %and3A_192, %sub3A_193, %div3A : i32
        %add3A_194 = arith.constant 1 : i32
        %add3A_195 = arith.addi %select_n3A, %add3A_194 : i32
        %rem3A_196 = arith.constant 2 : i32
        %rem3A_197 = arith.remsi %add3A_195, %rem3A_196 : i32
        %mul3A_198 = arith.constant 5 : i32
        %mul3A_199 = arith.muli %rem3A_197, %mul3A_198 : i32
        "tpu.region"() ({
          %run_scoped3A_200 = tpu.sem_alloc : memref<!tpu.dma_semaphore, #tpu.memory_space<semaphore_mem>>
          %dma_start3A_201 = arith.constant 0 : i32
          %dma_start3A_202 = tpu.memref_slice %arg8[%mul3A_199, %dma_start3A_201] : memref<10x80xi32, #tpu.memory_space<vmem>> -> memref<5x80xi32, #tpu.memory_space<vmem>>
          %dma_start3A_203 = arith.constant 0 : i32
          %dma_start3A_204 = arith.constant 0 : i32
          %dma_start3A_205 = tpu.memref_slice %arg4[%add3A, %add3A_195, %dma_start3A_203, %dma_start3A_204] : memref<32x25x5x80xi32, #tpu.memory_space<hbm>> -> memref<1x1x5x80xi32, #tpu.memory_space<hbm>>
          %dma_start3A_206 = tpu.memref_squeeze %dma_start3A_205 : memref<1x1x5x80xi32, #tpu.memory_space<hbm>> -> memref<5x80xi32, #tpu.memory_space<hbm>>
          %dma_start3A_207 = arith.constant 0 : i32
          %dma_start3A_208 = tpu.memref_slice %arg8[%mul3A_199, %dma_start3A_207] : memref<10x80xi32, #tpu.memory_space<vmem>> -> memref<5x80xi32, #tpu.memory_space<vmem>>
          %dma_start3A_209 = arith.constant 0 : i32
          %dma_start3A_210 = arith.constant 0 : i32
          %dma_start3A_211 = tpu.memref_slice %arg4[%add3A, %add3A_195, %dma_start3A_209, %dma_start3A_210] : memref<32x25x5x80xi32, #tpu.memory_space<hbm>> -> memref<1x1x5x80xi32, #tpu.memory_space<hbm>>
          %dma_start3A_212 = tpu.memref_squeeze %dma_start3A_211 : memref<1x1x5x80xi32, #tpu.memory_space<hbm>> -> memref<5x80xi32, #tpu.memory_space<hbm>>
          tpu.enqueue_dma source(%dma_start3A_212 : memref<5x80xi32, #tpu.memory_space<hbm>>) target(%dma_start3A_208 : memref<5x80xi32, #tpu.memory_space<vmem>>) target_semaphore(%run_scoped3A_200 : memref<!tpu.dma_semaphore, #tpu.memory_space<semaphore_mem>>)
          %dma_wait3A_213 = arith.constant 0 : i32
          %dma_wait3A_214 = tpu.memref_slice %arg8[%mul3A_199, %dma_wait3A_213] : memref<10x80xi32, #tpu.memory_space<vmem>> -> memref<5x80xi32, #tpu.memory_space<vmem>>
          %dma_wait3A_215 = arith.constant 0 : i32
          %dma_wait3A_216 = arith.constant 0 : i32
          %dma_wait3A_217 = tpu.memref_slice %arg4[%add3A, %add3A_195, %dma_wait3A_215, %dma_wait3A_216] : memref<32x25x5x80xi32, #tpu.memory_space<hbm>> -> memref<1x1x5x80xi32, #tpu.memory_space<hbm>>
          %dma_wait3A_218 = tpu.memref_squeeze %dma_wait3A_217 : memref<1x1x5x80xi32, #tpu.memory_space<hbm>> -> memref<5x80xi32, #tpu.memory_space<hbm>>
          %dma_wait3A_219 = arith.constant 0 : i32
          %dma_wait3A_220 = tpu.memref_slice %arg8[%mul3A_199, %dma_wait3A_219] : memref<10x80xi32, #tpu.memory_space<vmem>> -> memref<5x80xi32, #tpu.memory_space<vmem>>
          %dma_wait3A_221 = arith.constant 0 : i32
          %dma_wait3A_222 = arith.constant 0 : i32
          %dma_wait3A_223 = tpu.memref_slice %arg4[%add3A, %add3A_195, %dma_wait3A_221, %dma_wait3A_222] : memref<32x25x5x80xi32, #tpu.memory_space<hbm>> -> memref<1x1x5x80xi32, #tpu.memory_space<hbm>>
          %dma_wait3A_224 = tpu.memref_squeeze %dma_wait3A_223 : memref<1x1x5x80xi32, #tpu.memory_space<hbm>> -> memref<5x80xi32, #tpu.memory_space<hbm>>
          tpu.wait_dma2 semaphore(%run_scoped3A_200 : memref<!tpu.dma_semaphore, #tpu.memory_space<semaphore_mem>>) src(%dma_wait3A_224 : memref<5x80xi32, #tpu.memory_space<hbm>>) dst(%dma_wait3A_220 : memref<5x80xi32, #tpu.memory_space<vmem>>)
          tpu.yield
        }) : () -> ()
        "tpu.region"() ({
          %run_scoped3A_200 = tpu.sem_alloc : memref<!tpu.dma_semaphore, #tpu.memory_space<semaphore_mem>>
          %dma_start3A_201 = arith.constant 0 : i32
          %dma_start3A_202 = tpu.memref_slice %arg9[%mul3A_199, %dma_start3A_201] : memref<10x80xi32, #tpu.memory_space<vmem>> -> memref<5x80xi32, #tpu.memory_space<vmem>>
          %dma_start3A_203 = arith.constant 0 : i32
          %dma_start3A_204 = arith.constant 0 : i32
          %dma_start3A_205 = tpu.memref_slice %arg5[%add3A, %add3A_195, %dma_start3A_203, %dma_start3A_204] : memref<32x25x5x80xi32, #tpu.memory_space<hbm>> -> memref<1x1x5x80xi32, #tpu.memory_space<hbm>>
          %dma_start3A_206 = tpu.memref_squeeze %dma_start3A_205 : memref<1x1x5x80xi32, #tpu.memory_space<hbm>> -> memref<5x80xi32, #tpu.memory_space<hbm>>
          %dma_start3A_207 = arith.constant 0 : i32
          %dma_start3A_208 = tpu.memref_slice %arg9[%mul3A_199, %dma_start3A_207] : memref<10x80xi32, #tpu.memory_space<vmem>> -> memref<5x80xi32, #tpu.memory_space<vmem>>
          %dma_start3A_209 = arith.constant 0 : i32
          %dma_start3A_210 = arith.constant 0 : i32
          %dma_start3A_211 = tpu.memref_slice %arg5[%add3A, %add3A_195, %dma_start3A_209, %dma_start3A_210] : memref<32x25x5x80xi32, #tpu.memory_space<hbm>> -> memref<1x1x5x80xi32, #tpu.memory_space<hbm>>
          %dma_start3A_212 = tpu.memref_squeeze %dma_start3A_211 : memref<1x1x5x80xi32, #tpu.memory_space<hbm>> -> memref<5x80xi32, #tpu.memory_space<hbm>>
          tpu.enqueue_dma source(%dma_start3A_212 : memref<5x80xi32, #tpu.memory_space<hbm>>) target(%dma_start3A_208 : memref<5x80xi32, #tpu.memory_space<vmem>>) target_semaphore(%run_scoped3A_200 : memref<!tpu.dma_semaphore, #tpu.memory_space<semaphore_mem>>)
          %dma_wait3A_213 = arith.constant 0 : i32
          %dma_wait3A_214 = tpu.memref_slice %arg9[%mul3A_199, %dma_wait3A_213] : memref<10x80xi32, #tpu.memory_space<vmem>> -> memref<5x80xi32, #tpu.memory_space<vmem>>
          %dma_wait3A_215 = arith.constant 0 : i32
          %dma_wait3A_216 = arith.constant 0 : i32
          %dma_wait3A_217 = tpu.memref_slice %arg5[%add3A, %add3A_195, %dma_wait3A_215, %dma_wait3A_216] : memref<32x25x5x80xi32, #tpu.memory_space<hbm>> -> memref<1x1x5x80xi32, #tpu.memory_space<hbm>>
          %dma_wait3A_218 = tpu.memref_squeeze %dma_wait3A_217 : memref<1x1x5x80xi32, #tpu.memory_space<hbm>> -> memref<5x80xi32, #tpu.memory_space<hbm>>
          %dma_wait3A_219 = arith.constant 0 : i32
          %dma_wait3A_220 = tpu.memref_slice %arg9[%mul3A_199, %dma_wait3A_219] : memref<10x80xi32, #tpu.memory_space<vmem>> -> memref<5x80xi32, #tpu.memory_space<vmem>>
          %dma_wait3A_221 = arith.constant 0 : i32
          %dma_wait3A_222 = arith.constant 0 : i32
          %dma_wait3A_223 = tpu.memref_slice %arg5[%add3A, %add3A_195, %dma_wait3A_221, %dma_wait3A_222] : memref<32x25x5x80xi32, #tpu.memory_space<hbm>> -> memref<1x1x5x80xi32, #tpu.memory_space<hbm>>
          %dma_wait3A_224 = tpu.memref_squeeze %dma_wait3A_223 : memref<1x1x5x80xi32, #tpu.memory_space<hbm>> -> memref<5x80xi32, #tpu.memory_space<hbm>>
          tpu.wait_dma2 semaphore(%run_scoped3A_200 : memref<!tpu.dma_semaphore, #tpu.memory_space<semaphore_mem>>) src(%dma_wait3A_224 : memref<5x80xi32, #tpu.memory_space<hbm>>) dst(%dma_wait3A_220 : memref<5x80xi32, #tpu.memory_space<vmem>>)
          tpu.yield
        }) : () -> ()
        "tpu.region"() ({
          %run_scoped3A_200 = tpu.sem_alloc : memref<!tpu.dma_semaphore, #tpu.memory_space<semaphore_mem>>
          %dma_start3A_201 = arith.constant 0 : i32
          %dma_start3A_202 = tpu.memref_slice %arg10[%mul3A_199, %dma_start3A_201] : memref<10x80xf32, #tpu.memory_space<vmem>> -> memref<5x80xf32, #tpu.memory_space<vmem>>
          %dma_start3A_203 = arith.constant 0 : i32
          %dma_start3A_204 = arith.constant 0 : i32
          %dma_start3A_205 = tpu.memref_slice %arg6[%add3A, %add3A_195, %dma_start3A_203, %dma_start3A_204] : memref<32x25x5x80xf32, #tpu.memory_space<hbm>> -> memref<1x1x5x80xf32, #tpu.memory_space<hbm>>
          %dma_start3A_206 = tpu.memref_squeeze %dma_start3A_205 : memref<1x1x5x80xf32, #tpu.memory_space<hbm>> -> memref<5x80xf32, #tpu.memory_space<hbm>>
          %dma_start3A_207 = arith.constant 0 : i32
          %dma_start3A_208 = tpu.memref_slice %arg10[%mul3A_199, %dma_start3A_207] : memref<10x80xf32, #tpu.memory_space<vmem>> -> memref<5x80xf32, #tpu.memory_space<vmem>>
          %dma_start3A_209 = arith.constant 0 : i32
          %dma_start3A_210 = arith.constant 0 : i32
          %dma_start3A_211 = tpu.memref_slice %arg6[%add3A, %add3A_195, %dma_start3A_209, %dma_start3A_210] : memref<32x25x5x80xf32, #tpu.memory_space<hbm>> -> memref<1x1x5x80xf32, #tpu.memory_space<hbm>>
          %dma_start3A_212 = tpu.memref_squeeze %dma_start3A_211 : memref<1x1x5x80xf32, #tpu.memory_space<hbm>> -> memref<5x80xf32, #tpu.memory_space<hbm>>
          tpu.enqueue_dma source(%dma_start3A_212 : memref<5x80xf32, #tpu.memory_space<hbm>>) target(%dma_start3A_208 : memref<5x80xf32, #tpu.memory_space<vmem>>) target_semaphore(%run_scoped3A_200 : memref<!tpu.dma_semaphore, #tpu.memory_space<semaphore_mem>>)
          %dma_wait3A_213 = arith.constant 0 : i32
          %dma_wait3A_214 = tpu.memref_slice %arg10[%mul3A_199, %dma_wait3A_213] : memref<10x80xf32, #tpu.memory_space<vmem>> -> memref<5x80xf32, #tpu.memory_space<vmem>>
          %dma_wait3A_215 = arith.constant 0 : i32
          %dma_wait3A_216 = arith.constant 0 : i32
          %dma_wait3A_217 = tpu.memref_slice %arg6[%add3A, %add3A_195, %dma_wait3A_215, %dma_wait3A_216] : memref<32x25x5x80xf32, #tpu.memory_space<hbm>> -> memref<1x1x5x80xf32, #tpu.memory_space<hbm>>
          %dma_wait3A_218 = tpu.memref_squeeze %dma_wait3A_217 : memref<1x1x5x80xf32, #tpu.memory_space<hbm>> -> memref<5x80xf32, #tpu.memory_space<hbm>>
          %dma_wait3A_219 = arith.constant 0 : i32
          %dma_wait3A_220 = tpu.memref_slice %arg10[%mul3A_199, %dma_wait3A_219] : memref<10x80xf32, #tpu.memory_space<vmem>> -> memref<5x80xf32, #tpu.memory_space<vmem>>
          %dma_wait3A_221 = arith.constant 0 : i32
          %dma_wait3A_222 = arith.constant 0 : i32
          %dma_wait3A_223 = tpu.memref_slice %arg6[%add3A, %add3A_195, %dma_wait3A_221, %dma_wait3A_222] : memref<32x25x5x80xf32, #tpu.memory_space<hbm>> -> memref<1x1x5x80xf32, #tpu.memory_space<hbm>>
          %dma_wait3A_224 = tpu.memref_squeeze %dma_wait3A_223 : memref<1x1x5x80xf32, #tpu.memory_space<hbm>> -> memref<5x80xf32, #tpu.memory_space<hbm>>
          tpu.wait_dma2 semaphore(%run_scoped3A_200 : memref<!tpu.dma_semaphore, #tpu.memory_space<semaphore_mem>>) src(%dma_wait3A_224 : memref<5x80xf32, #tpu.memory_space<hbm>>) dst(%dma_wait3A_220 : memref<5x80xf32, #tpu.memory_space<vmem>>)
          tpu.yield
        }) : () -> ()
      } else {
      }
      %scan3A_175 = arith.constant 0 : i32
      scf.yield %scan3A_175 : i32
    }
    %scan3A_79 = arith.constant 125 : i32
    %rem3A = arith.constant 124 : i32
    %rem3A_80 = arith.constant 3 : i32
    %rem3A_81 = arith.remsi %rem3A, %rem3A_80 : i32
    %dma_wait3A = arith.constant 0 : i32
    %dma_wait3A_82 = arith.constant 0 : i32
    %dma_wait3A_83 = tpu.memref_slice %arg13[%rem3A_81, %dma_wait3A, %dma_wait3A_82] : memref<3x80x128xf32, #tpu.memory_space<vmem>> -> memref<1x80x128xf32, #tpu.memory_space<vmem>>
    %dma_wait3A_84 = tpu.memref_squeeze %dma_wait3A_83 : memref<1x80x128xf32, #tpu.memory_space<vmem>> -> memref<80x128xf32, #tpu.memory_space<vmem>>
    %dma_wait3A_85 = arith.constant 0 : i32
    %dma_wait3A_86 = arith.constant 0 : i32
    %dma_wait3A_87 = tpu.memref_slice %arg14[%dma_wait3A_85, %dma_wait3A_86] : memref<10000x128xf32, #tpu.memory_space<vmem_shared>> -> memref<80x128xf32, #tpu.memory_space<vmem_shared>>
    %dma_wait3A_88 = arith.constant 0 : i32
    %dma_wait3A_89 = arith.constant 0 : i32
    %dma_wait3A_90 = tpu.memref_slice %arg14[%dma_wait3A_88, %dma_wait3A_89] : memref<10000x128xf32, #tpu.memory_space<vmem_shared>> -> memref<80x128xf32, #tpu.memory_space<vmem_shared>>
    %dma_wait3A_91 = arith.constant 0 : i32
    %dma_wait3A_92 = arith.constant 0 : i32
    %dma_wait3A_93 = tpu.memref_slice %arg13[%rem3A_81, %dma_wait3A_91, %dma_wait3A_92] : memref<3x80x128xf32, #tpu.memory_space<vmem>> -> memref<1x80x128xf32, #tpu.memory_space<vmem>>
    %dma_wait3A_94 = tpu.memref_squeeze %dma_wait3A_93 : memref<1x80x128xf32, #tpu.memory_space<vmem>> -> memref<80x128xf32, #tpu.memory_space<vmem>>
    tpu.wait_dma2 semaphore(%arg16 : memref<!tpu.dma_semaphore, #tpu.memory_space<semaphore_mem>>) src(%dma_wait3A_94 : memref<80x128xf32, #tpu.memory_space<vmem>>) dst(%dma_wait3A_90 : memref<80x128xf32, #tpu.memory_space<vmem_shared>>)
    %barrier3A_95 = arith.constant 0 : index
    tpu.barrier barrier_id(%barrier3A_95)
    %mul3A_96 = arith.constant 624 : i32
    %mul3A_97 = arith.muli %arg1, %mul3A_96 : i32
    %mul3A_98 = arith.constant 624 : i32
    %mul3A_99 = arith.muli %arg1, %mul3A_98 : i32
    "tpu.region"() ({
      %run_scoped3A_105 = tpu.sem_alloc : memref<!tpu.dma_semaphore, #tpu.memory_space<semaphore_mem>>
      %dma_start3A_106 = arith.constant 0 : i32
      %dma_start3A_107 = tpu.memref_slice %arg7[%arg0, %mul3A_99, %dma_start3A_106] : memref<2x10000x128xf32, #tpu.memory_space<hbm>> -> memref<1x624x128xf32, #tpu.memory_space<hbm>>
      %dma_start3A_108 = tpu.memref_squeeze %dma_start3A_107 : memref<1x624x128xf32, #tpu.memory_space<hbm>> -> memref<624x128xf32, #tpu.memory_space<hbm>>
      %dma_start3A_109 = arith.constant 0 : i32
      %dma_start3A_110 = tpu.memref_slice %arg14[%mul3A_97, %dma_start3A_109] : memref<10000x128xf32, #tpu.memory_space<vmem_shared>> -> memref<624x128xf32, #tpu.memory_space<vmem_shared>>
      tpu.enqueue_dma source(%dma_start3A_110 : memref<624x128xf32, #tpu.memory_space<vmem_shared>>) target(%dma_start3A_108 : memref<624x128xf32, #tpu.memory_space<hbm>>) target_semaphore(%run_scoped3A_105 : memref<!tpu.dma_semaphore, #tpu.memory_space<semaphore_mem>>)
      %dma_wait3A_111 = arith.constant 0 : i32
      %dma_wait3A_112 = tpu.memref_slice %arg7[%arg0, %mul3A_99, %dma_wait3A_111] : memref<2x10000x128xf32, #tpu.memory_space<hbm>> -> memref<1x624x128xf32, #tpu.memory_space<hbm>>
      %dma_wait3A_113 = tpu.memref_squeeze %dma_wait3A_112 : memref<1x624x128xf32, #tpu.memory_space<hbm>> -> memref<624x128xf32, #tpu.memory_space<hbm>>
      %dma_wait3A_114 = arith.constant 0 : i32
      %dma_wait3A_115 = tpu.memref_slice %arg14[%mul3A_97, %dma_wait3A_114] : memref<10000x128xf32, #tpu.memory_space<vmem_shared>> -> memref<624x128xf32, #tpu.memory_space<vmem_shared>>
      tpu.wait_dma2 semaphore(%run_scoped3A_105 : memref<!tpu.dma_semaphore, #tpu.memory_space<semaphore_mem>>) src(%dma_wait3A_115 : memref<624x128xf32, #tpu.memory_space<vmem_shared>>) dst(%dma_wait3A_113 : memref<624x128xf32, #tpu.memory_space<hbm>>)
      tpu.yield
    }) : () -> ()
    %eq3A_100 = arith.constant 15 : i32
    %eq3A_101 = arith.cmpi eq, %arg1, %eq3A_100 : i32
    %convert_element_type3A_102 = arith.extui %eq3A_101 : i1 to i32
    %cond3A_103 = arith.constant 0 : i32
    %cond3A_104 = arith.cmpi ne, %convert_element_type3A_102, %cond3A_103 : i32
    scf.if %cond3A_104 {
      "tpu.region"() ({
        %run_scoped3A_105 = tpu.sem_alloc : memref<!tpu.dma_semaphore, #tpu.memory_space<semaphore_mem>>
        %dma_start3A_106 = arith.constant 9984 : i32
        %dma_start3A_107 = arith.constant 0 : i32
        %dma_start3A_108 = tpu.memref_slice %arg7[%arg0, %dma_start3A_106, %dma_start3A_107] : memref<2x10000x128xf32, #tpu.memory_space<hbm>> -> memref<1x16x128xf32, #tpu.memory_space<hbm>>
        %dma_start3A_109 = tpu.memref_squeeze %dma_start3A_108 : memref<1x16x128xf32, #tpu.memory_space<hbm>> -> memref<16x128xf32, #tpu.memory_space<hbm>>
        %dma_start3A_110 = arith.constant 9984 : i32
        %dma_start3A_111 = arith.constant 0 : i32
        %dma_start3A_112 = tpu.memref_slice %arg14[%dma_start3A_110, %dma_start3A_111] : memref<10000x128xf32, #tpu.memory_space<vmem_shared>> -> memref<16x128xf32, #tpu.memory_space<vmem_shared>>
        tpu.enqueue_dma source(%dma_start3A_112 : memref<16x128xf32, #tpu.memory_space<vmem_shared>>) target(%dma_start3A_109 : memref<16x128xf32, #tpu.memory_space<hbm>>) target_semaphore(%run_scoped3A_105 : memref<!tpu.dma_semaphore, #tpu.memory_space<semaphore_mem>>)
        %dma_wait3A_113 = arith.constant 9984 : i32
        %dma_wait3A_114 = arith.constant 0 : i32
        %dma_wait3A_115 = tpu.memref_slice %arg7[%arg0, %dma_wait3A_113, %dma_wait3A_114] : memref<2x10000x128xf32, #tpu.memory_space<hbm>> -> memref<1x16x128xf32, #tpu.memory_space<hbm>>
        %dma_wait3A_116 = tpu.memref_squeeze %dma_wait3A_115 : memref<1x16x128xf32, #tpu.memory_space<hbm>> -> memref<16x128xf32, #tpu.memory_space<hbm>>
        %dma_wait3A_117 = arith.constant 9984 : i32
        %dma_wait3A_118 = arith.constant 0 : i32
        %dma_wait3A_119 = tpu.memref_slice %arg14[%dma_wait3A_117, %dma_wait3A_118] : memref<10000x128xf32, #tpu.memory_space<vmem_shared>> -> memref<16x128xf32, #tpu.memory_space<vmem_shared>>
        tpu.wait_dma2 semaphore(%run_scoped3A_105 : memref<!tpu.dma_semaphore, #tpu.memory_space<semaphore_mem>>) src(%dma_wait3A_119 : memref<16x128xf32, #tpu.memory_space<vmem_shared>>) dst(%dma_wait3A_116 : memref<16x128xf32, #tpu.memory_space<hbm>>)
        tpu.yield
      }) : () -> ()
    } else {
    }
    return
  }
}

module attributes {stable_mosaic.version = 14 : i64} {
  func.func @_tc_finish_body(%arg0: memref<10000x128xf32, #tpu.memory_space<vmem>>, %arg1: memref<2x10000x128xf32, #tpu.memory_space<vmem>>, %arg2: memref<10000x1xf32, #tpu.memory_space<vmem>>, %arg3: memref<128x128xf32, #tpu.memory_space<vmem>>, %arg4: memref<1x128xf32, #tpu.memory_space<vmem>>, %arg5: memref<1x128xf32, #tpu.memory_space<vmem>>) attributes {dimension_semantics = [], scalar_prefetch = 0 : i64, scratch_operands = 0 : i64, tpu.core_type = #tpu.core_type<tc>} {
    %get3A = arith.constant 0 : index
    %get3A_0 = arith.constant 0 : index
    %get3A_1 = vector.load %arg0[%get3A, %get3A_0] : memref<10000x128xf32, #tpu.memory_space<vmem>>, vector<10000x128xf32>
    %reduce_max3A = arith.constant dense<0xFF800000> : vector<128xf32>
    %reduce_max3A_2 = vector.multi_reduction <maximumf>, %get3A_1, %reduce_max3A [0] : vector<10000x128xf32> to vector<128xf32>
    %broadcast_in_dim3A = vector.shape_cast %reduce_max3A_2 : vector<128xf32> to vector<1x128xf32>
    %get3A_3 = arith.constant 0 : index
    %get3A_4 = arith.constant 0 : index
    %get3A_5 = arith.constant 0 : index
    %get3A_6 = vector.load %arg1[%get3A_3, %get3A_4, %get3A_5] : memref<2x10000x128xf32, #tpu.memory_space<vmem>>, vector<1x10000x128xf32>
    %get3A_7 = vector.shape_cast %get3A_6 : vector<1x10000x128xf32> to vector<10000x128xf32>
    %get3A_8 = arith.constant 1 : index
    %get3A_9 = arith.constant 0 : index
    %get3A_10 = arith.constant 0 : index
    %get3A_11 = vector.load %arg1[%get3A_8, %get3A_9, %get3A_10] : memref<2x10000x128xf32, #tpu.memory_space<vmem>>, vector<1x10000x128xf32>
    %get3A_12 = vector.shape_cast %get3A_11 : vector<1x10000x128xf32> to vector<10000x128xf32>
    %add3A = arith.addf %get3A_7, %get3A_12 : vector<10000x128xf32>
    %get3A_13 = arith.constant 0 : index
    %get3A_14 = arith.constant 0 : index
    %get3A_15 = vector.load %arg2[%get3A_13, %get3A_14] : memref<10000x1xf32, #tpu.memory_space<vmem>>, vector<10000x1xf32>
    %mul3A = vector.broadcast %get3A_15 : vector<10000x1xf32> to vector<10000x128xf32>
    %mul3A_16 = arith.mulf %add3A, %mul3A : vector<10000x128xf32>
    %reduce_max3A_17 = arith.constant dense<0xFF800000> : vector<128xf32>
    %reduce_max3A_18 = vector.multi_reduction <maximumf>, %mul3A_16, %reduce_max3A_17 [0] : vector<10000x128xf32> to vector<128xf32>
    %broadcast_in_dim3A_19 = vector.shape_cast %reduce_max3A_18 : vector<128xf32> to vector<1x128xf32>
    %add3A_20 = arith.addf %broadcast_in_dim3A, %broadcast_in_dim3A_19 : vector<1x128xf32>
    %mul3A_21 = arith.constant 5.000000e-01 : f32
    %mul3A_22 = vector.broadcast %mul3A_21 : f32 to vector<1x128xf32>
    %mul3A_23 = arith.mulf %mul3A_22, %add3A_20 : vector<1x128xf32>
    %get3A_24 = arith.constant 0 : index
    %get3A_25 = arith.constant 0 : index
    %get3A_26 = vector.load %arg3[%get3A_24, %get3A_25] : memref<128x128xf32, #tpu.memory_space<vmem>>, vector<128x128xf32>
    %dot_general3A = arith.constant dense<0.000000e+00> : vector<1x128xf32>
    %dot_general3A_27 = tpu.matmul %mul3A_23, %get3A_26, %dot_general3A {dimension_numbers = #tpu.dot_dimension_numbers<[1], [1], [0], [0], [0, 0, 1, 0], [], []>, transpose_lhs_hint = false} : vector<1x128xf32>, vector<128x128xf32>, vector<1x128xf32> -> vector<1x128xf32>
    %get3A_28 = arith.constant 0 : index
    %get3A_29 = arith.constant 0 : index
    %get3A_30 = vector.load %arg4[%get3A_28, %get3A_29] : memref<1x128xf32, #tpu.memory_space<vmem>>, vector<1x128xf32>
    %add3A_31 = arith.addf %dot_general3A_27, %get3A_30 : vector<1x128xf32>
    %gt3A = arith.constant 0.000000e+00 : f32
    %gt3A_32 = vector.broadcast %gt3A : f32 to vector<1x128xf32>
    %gt3A_33 = arith.cmpf ogt, %add3A_31, %gt3A_32 : vector<1x128xf32>
    %mul3A_34 = arith.constant 0.00999999977 : f32
    %mul3A_35 = vector.broadcast %mul3A_34 : f32 to vector<1x128xf32>
    %mul3A_36 = arith.mulf %mul3A_35, %add3A_31 : vector<1x128xf32>
    %select_n3A = arith.select %gt3A_33, %add3A_31, %mul3A_36 : vector<1x128xi1>, vector<1x128xf32>
    %swap3A = arith.constant 0 : index
    %swap3A_37 = arith.constant 0 : index
    %swap3A_38 = vector.load %arg5[%swap3A, %swap3A_37] : memref<1x128xf32, #tpu.memory_space<vmem>>, vector<1x128xf32>
    tpu.vector_store %arg5[%swap3A, %swap3A_37], %select_n3A {strides = array<i32>} : memref<1x128xf32, #tpu.memory_space<vmem>>, vector<1x128xf32>,
    return
  }
}

</mosaic_0001>

<sc_bundles>
// kernel: kernel.4.cloned.1.call-start
scs
__scs_entry_jumppad:
0x0: {  	(pc) =	sbr.rel $0x88, $3  }
0x1: {  	(tag) =	ssettag $0x0;
	lr =	simm.s32 $0x1  }
0x2: {  	[smem:$0x3F9B] =	sst lr;
	_ =	strace $0xD0000000  }
0x3: {  	_ = 	snop  }
0x4: {  	_ = 	snop  }
0x5: {  	_ = 	snop  }
0x6: {  	_ = 	snop  }
0x7: {  	_ = 	snop  }
__scs_overlays_trampoline_lowered:
0x8: {  	[smem:$0x3FAA] =	sst s0  }
0x9: {  	[smem:$0x3FAB] =	sst s1  }
0xa: {  	[smem:$0x3FAC] =	sst s2  }
0xb: {  	[smem:$0x3FAD] =	sst s3  }
0xc: {  	[smem:$0x3FAE] =	sst s4  }
0xd: {  	[smem:$0x3FAF] =	sst s5  }
0xe: {  	[smem:$0x3FB0] =	sst s6  }
0xf: {  	[smem:$0x3FB1] =	sst s7  }
0x10: {  	[smem:$0x3FB2] =	sst s8  }
0x11: {  	[smem:$0x3FB3] =	sst s9;
	s0 =	simm.s32 @!p0 $0x0  }
0x12: {  	s1 =	sld [smem:$0x3F99];
	s0 =	simm.s32 @p0 $0x1  }
0x13: {  	[smem:$0x3FB4] =	sst s0;
	s0 =	simm.s32 @!p1 $0x0  }
0x14: {  	s2 =	sld [smem:$0x3F98];
	s0 =	simm.s32 @p1 $0x1  }
0x15: {  	[smem:$0x3FB5] =	sst s0;
	s0 =	simm.s32 @!p2 $0x0  }
0x16: {  	s3 =	sld [smem:$0x3FDB];
	s0 =	simm.s32 @p2 $0x1  }
0x17: {  	s4 =	simm.s32 $0x1BF5;
	[smem:$0x3FB7] =	sst s0  }
0x18: {  	s0 =	sld [smem:$0x3F9A];
	_ =	swait.ge [sflag:s4], $0x0  }
0x19: {  	s7 =	sld [smem:$0x3F9B]  }
0x1a: {  	s8 =	sadd.s32 $0xFFFFE003, lr  }
0x1b: {  	s9 =	sadd.s32 $0xFFFFFEF7, lr;
	s5 =	simm.s32 $0xFFFFFFFF;
	p2 =	slt.u32 s8, $0xFFFFF086  }
0x1c: {  	p1 =	slt.u32 s9, $0xF7A;
	s5 =	simm.s32 @!p2 $0x0  }
0x1d: {  	s5 =	simm.s32 @p1 $0x1;
	p0 =	seq.s32 s7, s2  }
0x1e: {  	s7 =	smul.u32 @!p0 $0xF7A, s2;
	p2 =	seq.s32 @!p0 s5, $0x0  }
0x1f: {  	s9 =	smul.u32 $0xF7A, s1;
	s8 =	simm.s32 @!p0 $0x1BF5;
	p2 =	por !p2, p0  }
0x20: {  	[sflag:s8] =	ssyncset.s32 @!p0 $0xFFFFF086;
	s6 =	sadd.s32 @!p0 s3, s7;
	s7 =	simm.s32 @!p0 $0x108  }
0x21: {  	s3 =	sadd.s32 s3, s9;
	s6 =	sadd.s32 @!p0 $0x88, s6;
	s7 =	simm.s32 @p2 $0x1082  }
0x22: {  	[simem:s7], [sflag:s8] =	dma.local @!p0 [hbm:s6], $0xF7A  }
0x23: {  	s9 =	sor.u32 $0xD0000000, s2;
	s6 =	simm.s32 $0x108;
	_ =	swait.ge @!p0 [sflag:s8], $0x0  }
0x24: {  	s3 =	sadd.s32 $0x88, s3;
	s6 =	simm.s32 @!p1 $0x1082;
	[sflag:s4] =	ssyncset.s32 $0xFFFFF086  }
0x25: {  	[simem:s6], [sflag:s4] =	dma.local [hbm:s3], $0xF7A  }
0x26: {  	[smem:$0x3F9B] =	sst s1;
	(tag) =	ssettag s2;
	_ =	strace s9  }
0x27: {  	s1 =	sld [smem:$0x3FAB]  }
0x28: {  	s2 =	sld [smem:$0x3FAC]  }
0x29: {  	s4 =	sld [smem:$0x3FAE]  }
0x2a: {  	p0 =	seq.s32 s5, $0x0;
	s5 =	sld [smem:$0x3FAF]  }
0x2b: {  	s6 =	sld [smem:$0x3FB0]  }
0x2c: {  	s7 =	sld [smem:$0x3FB1]  }
0x2d: {  	s3 =	simm.s32 $0x108;
	s8 =	sld [smem:$0x3FB2]  }
0x2e: {  	s3 =	simm.s32 @!p0 $0x1082;
	s9 =	sld [smem:$0x3FB3]  }
0x2f: {  	lr =	sadd.s32 s0, s3;
	s0 =	sld [smem:$0x3FAA]  }
0x30: {  	s3 =	sld [smem:$0x3FAD]  }
0x31: {  	[smem:$0x3FB6] =	sst s10  }
0x32: {  	s10 =	sld [smem:$0x3FB4];
	_ =	sdelay $0x3  }
0x33: {  	p0 =	seq.s32 s10, $0x1;
	s10 =	sld [smem:$0x3FB6];
	_ =	sdelay $0x3  }
0x34: {  	[smem:$0x3FB6] =	sst s10  }
0x35: {  	s10 =	sld [smem:$0x3FB5];
	_ =	sdelay $0x3  }
0x36: {  	p1 =	seq.s32 s10, $0x1;
	s10 =	sld [smem:$0x3FB6];
	_ =	sdelay $0x3  }
0x37: {  	[smem:$0x3FB6] =	sst s10  }
0x38: {  	s10 =	sld [smem:$0x3FB7]  }
0x39: {  	_ = 	snop;
	(pc) =	sbr.ind lr, $3  }
0x3a: {  	_ = 	snop  }
0x3b: {  	_ = 	snop  }
0x3c: {  	p2 =	seq.s32 s10, $0x1;
	s10 =	sld [smem:$0x3FB6]  }
0x3d: {  	_ =	shalt  }
0x3e: {  	_ =	shalt  }
0x3f: {  	_ =	shalt  }
0x40: {  	_ =	shalt  }
0x41: {  	_ =	shalt  }
0x42: {  	_ =	shalt  }
0x43: {  	_ =	shalt  }
0x44: {  	_ =	shalt  }
0x45: {  	_ =	shalt  }
0x46: {  	_ =	shalt  }
0x47: {  	_ =	shalt  }
0x48: {  	_ =	shalt  }
0x49: {  	_ =	shalt  }
0x4a: {  	_ =	shalt  }
0x4b: {  	_ =	shalt  }
0x4c: {  	_ =	shalt  }
0x4d: {  	_ =	shalt  }
0x4e: {  	_ =	shalt  }
0x4f: {  	_ =	shalt  }
0x50: {  	_ =	shalt  }
0x51: {  	_ =	shalt  }
0x52: {  	_ =	shalt  }
0x53: {  	_ =	shalt  }
0x54: {  	_ =	shalt  }
0x55: {  	_ =	shalt  }
0x56: {  	_ =	shalt  }
0x57: {  	_ =	shalt  }
0x58: {  	_ =	shalt  }
0x59: {  	_ =	shalt  }
0x5a: {  	_ =	shalt  }
0x5b: {  	_ =	shalt  }
0x5c: {  	_ =	shalt  }
0x5d: {  	_ =	shalt  }
0x5e: {  	_ =	shalt  }
0x5f: {  	_ =	shalt  }
0x60: {  	_ =	shalt  }
0x61: {  	_ =	shalt  }
0x62: {  	_ =	shalt  }
0x63: {  	_ =	shalt  }
0x64: {  	_ =	shalt  }
0x65: {  	_ =	shalt  }
0x66: {  	_ =	shalt  }
0x67: {  	_ =	shalt  }
0x68: {  	_ =	shalt  }
0x69: {  	_ =	shalt  }
0x6a: {  	_ =	shalt  }
0x6b: {  	_ =	shalt  }
0x6c: {  	_ =	shalt  }
0x6d: {  	_ =	shalt  }
0x6e: {  	_ =	shalt  }
0x6f: {  	_ =	shalt  }
0x70: {  	_ =	shalt  }
0x71: {  	_ =	shalt  }
0x72: {  	_ =	shalt  }
0x73: {  	_ =	shalt  }
0x74: {  	_ =	shalt  }
0x75: {  	_ =	shalt  }
0x76: {  	_ =	shalt  }
0x77: {  	_ =	shalt  }
0x78: {  	_ =	shalt  }
0x79: {  	_ =	shalt  }
0x7a: {  	_ =	shalt  }
0x7b: {  	_ =	shalt  }
0x7c: {  	_ =	shalt  }
0x7d: {  	_ =	shalt  }
0x7e: {  	_ =	shalt  }
0x7f: {  	_ =	shalt  }
0x80: {  	_ =	shalt  }
0x81: {  	_ =	shalt  }
0x82: {  	_ =	shalt  }
0x83: {  	_ =	shalt  }
0x84: {  	_ =	shalt  }
0x85: {  	_ =	shalt  }
0x86: {  	_ =	shalt  }
0x87: {  	_ =	shalt  }
.Lfunc_end0:
.L_simem_size_0:
called_computation_lowered:
.L_overlay_start_0:
0x88: {  	s2 =	sld [smem:$0x3FD9]  }
0x89: {  	s3 =	sld [smem:$0x3FFE];
	_ =	sdelay $0x1  }
0x8a: {  	s1 =	srdreg.scid  }
0x8b: {  	s0 =	sand.u32 $0x1, s1  }
0x8c: {  	s17 =	sshll.u32 s0, $0xA;
	s2 =	sadd.s32 s3, s2  }
0x8d: {  	s2 =	sadd.s32 s2, s17  }
0x8e: {  	[smem:$0x3FC2] =	sst s2  }
0x8f: {  	_ = 	snop  }
0x90: {  	s2 =	sld [smem:$0x3FC9]  }
0x91: {  	s18 =	sld [smem:$0x3FC8];
	(tm) =	ssettm $0x1  }
0x92: {  	s4 =	sld [smem:$0x3FFB];
	_ =	sdelay $0x3  }
0x93: {  	_ =	strace s4  }
0x94: {  	s4 =	sld [smem:$0x3FFC];
	_ =	sdelay $0x3  }
0x95: {  	_ =	strace s4  }
0x96: {  	s4 =	sld [smem:$0x3FFD];
	_ =	sdelay $0x3  }
0x97: {  	_ =	strace s4  }
0x98: {  	_ =	strace $0x8FFFFFFF  }
0x99: {  	s19 =	sld [smem:$0x3FDB];
	_ =	sdelay $0x1  }
0x9a: {  	s5 =	simm.s32 $_scs_section_size  }
0x9b: {  	s6 =	simm.s32 $_size__tile_overlayer_lowered;
	s7 =	simm.s32 $_tile_overlayer_lowered  }
0x9c: {  	s22 =	simm.s32 $0x1BFF;
	s21 =	sshll.u32 s7, $0x1;
	s4 =	sadd.s32 s5, s19  }
0x9d: {  	s8 =	simm.s32 $0x0;
	s20 =	sshll.u32 s6, $0x1;
	s6 =	sadd.s32 s21, s4  }
0x9e: {  	[timem:s8], [sflag:s22] =	dma.local [hbm:s6], s20  }
0x9f: {  	_ =	swait.ge [sflag:s22], s20  }
0xa0: {  	s5 =	ssub.s32 $0x0, s20;
	[sflag:s22] =	ssyncset.done $0x0  }
0xa1: {  	[sflag:s22] =	ssyncadd.s32 s5;
	_ =	sdelay $0x1  }
0xa2: {  	s23 =	simm.s32 $0x1B8B  }
0xa3: {  	_ =	swait.ge [sflag:s23], $0x1  }
0xa4: {  	[sflag:s23] =	ssyncset.done $0x0  }
0xa5: {  	s25 =	simm.s32 $0x1B8E;
	s24 =	sld [smem:$0x3FFE];
	[sflag:s23] =	ssyncadd.s32 $0xFFFFFFFF  }
0xa6: {  	s26 =	simm.s32 $execute0_lowered;
	[smem:$0x3FD2] =	sst s25  }
0xa7: {  	s6 =	sshll.u32 s26, $0x1;
	_ =	strace $0x80000046;
	[dreg:$0x1] =	wrdreg $0xFFFFFFFF  }
0xa8: {  	s28 =	simm.s32 $_size_execute0_lowered;
	s4 =	sadd.s32 s4, s6;
	[dreg:$0x0] =	wrdreg $0x0  }
0xa9: {  	s6 =	sshll.u32 s28, $0x1;
	[dreg:$0x2] =	wrdreg s4  }
0xaa: {  	[dreg:$0x3] =	wrdreg s6  }
0xab: {  	[dreg:$0x4] =	wrdreg $0xC0  }
0xac: {  	_ =	task [dreg:s8], $0x5FFFF  }
0xad: {  	[dreg:$0x1] =	wrdreg $0xFFFFFFFF  }
0xae: {  	[dreg:$0x0] =	wrdreg $0x60  }
0xaf: {  	[dreg:$0x2] =	wrdreg s2  }
0xb0: {  	[dreg:$0x3] =	wrdreg s18  }
0xb1: {  	[dreg:$0x4] =	wrdreg s24  }
0xb2: {  	[dreg:$0x5] =	wrdreg $0x92800  }
0xb3: {  	[dreg:$0x6] =	wrdreg $0x9  }
0xb4: {  	_ =	task.clear_ibuf [dreg:s8], $0x7FFFF;
	_ =	strace $0x90000046  }
0xb5: {  	s29 =	simm.s32 $0x9;
	_ =	strace $0x80000048  }
0xb6: {  	_ =	swait.ge [sflag:s29], $0x1  }
0xb7: {  	[sflag:s29] =	ssyncadd.s32 $0xFFFFFFFF  }
0xb8: {  	_ =	strace $0x90000048  }
0xb9: {  	_ =	sfence  }
0xba: {  	s30 =	sld [smem:$0x0];
	_ =	sdelay $0x2  }
0xbb: {  	s31 =	sshll.u32 s1, $0xD;
	s1 =	sshrl.u32 s1, $0x2  }
0xbc: {  	s3 =	sand.u32 $0x4000, s31;
	s1 =	sadd.s32 s1, s30  }
0xbd: {  	s0 =	sor.u32 s3, s0;
	s1 =	sshll.u32 s1, $0x11  }
0xbe: {  	s0 =	sor.u32 s1, s0  }
0xbf: {  	s0 =	sadd.s32 $0x8F2B, s0  }
0xc0: {  	[sflag:s0] =	ssyncadd.remote.s32 $0x1  }
0xc1: {  	_ =	sfence.sel $0xFFFF  }
0xc2: {  	[dreg:$0x0] =	wrdreg $0xFFFFFFFF;
	(pc) =	sbr.abs _section_cstart, $3  }
0xc3: {  	[dreg:$0x1] =	wrdreg $0xFFFFFFFF  }
0xc4: {  	_ =	task.clear_ibuf [dreg:s8], $0x2FFFF;
	_ =	strace $0x9FFFFFFF  }
0xc5: {  	(tm) =	ssettm $0x7FFFFFFF  }
tec
execute0_lowered:
.L_overlay_start_1:
0x0: {  	(tag) =	ssettag $0x1  }
0x1: {  	s1 =	rddreg [dreg:$0x0]  }
0x2: {  	s2 =	rddreg [dreg:$0x1]  }
0x3: {  	s0 =	rddreg [dreg:$0x2]  }
0x4: {  	s3 =	rddreg [dreg:$0x3]  }
0x5: {  	s4 =	simm.s32 $0x0;
	s14 =	stileid.u32;
	s12 =	srdreg.scid  }
0x6: {  	s30 =	simm.s32 $0x50;
	s28 =	simm.s32 $0x3;
	s29 =	simm.s32 $0x1800  }
0x7: {  	s31 =	simm.s32 $0x2;
	[smem:$0x7FF] =	sst s4;
	s6 =	sadd.s32 $0xE00, s0  }
0x8: {  	s5 =	smul.u32 $0x4E000, s14;
	s7 =	sadd.s32 $0x19E00, s0;
	s8 =	sadd.s32 $0x32E00, s0  }
0x9: {  	s4 =	sand.u32 $0x1, s12;
	s0 =	sadd.s32 $0x4BE00, s0;
	s22 =	smul.u32 $0x13800, s14  }
0xa: {  	p0 =	sne.s32 s14, $0xF;
	_ =	strace $0x80000047;
	s5 =	sshrl.u32 s5, $0x2  }
0xb: {  	s10 =	ssub.s32 $0x2, s4;
	s12 =	sshll.u32 s4, $0x4;
	s9 =	sadd.s32 s5, s3  }
0xc: {  	s4 =	smul.u32 $0x138800, s4;
	s11 =	sshrl.u32 s10, $0x1;
	s15 =	sadd.s32 $0x2800, s9  }
0xd: {  	s13 =	sor.u32 s14, s12;
	s16 =	sadd.s32 $0x5000, s9;
	[dreg:$0x5] =	wrdreg s15  }
0xe: {  	s5 =	ssub.s32 s10, s11;
	s17 =	sadd.s32 $0x7800, s9;
	[dreg:$0x6] =	wrdreg s16  }
0xf: {  	s13 =	smul.u32 $0x6400, s13;
	s18 =	sadd.s32 $0xA000, s9;
	[dreg:$0x7] =	wrdreg s17  }
0x10: {  	s11 =	sadd.s32 s22, s4;
	s19 =	sadd.s32 $0xC800, s9;
	[dreg:$0x8] =	wrdreg s18  }
0x11: {  	s4 =	sshrl.u32 s4, $0x3;
	s20 =	sadd.s32 $0xF000, s9;
	[dreg:$0x9] =	wrdreg s19  }
0x12: {  	s23 =	sadd.s32 $0x11800, s9;
	s26 =	sshrl.u32 s11, $0x3;
	[dreg:$0xa] =	wrdreg s20  }
0x13: {  	s4 =	sadd.s32 s0, s4;
	s21 =	sshrl.u32 s13, $0x3;
	[dreg:$0xb] =	wrdreg s23  }
.Ltmp0:
0x14: {  	s18 =	sadd.s32 $0x138000, s3;
	s22 =	sadd.s32 s0, s26;
	(pc) =	sbr.rel .LBB2_1-.Ltmp0, $4  }
0x15: {  	s23 =	sadd.s32 $0x27000, s4;
	s26 =	simm.s32 $0x4;
	s24 =	sadd.s32 s6, s21  }
0x16: {  	s0 =	simm.s32 $0x1;
	s25 =	sadd.s32 s7, s21;
	[dreg:$0xc] =	wrdreg s24  }
0x17: {  	s4 =	simm.s32 $0x0;
	s10 =	sadd.s32 s8, s21;
	[dreg:$0xd] =	wrdreg s25  }
0x18: {  	v0 =	vimm.f32 $0.0e+00;
	[dreg:$0xe] =	wrdreg s10;
	s24 =	smax.u32 s5, $0x1;
	s25 =	simm.s32 $0x1A80  }
.LBB2_10:
0x19: {  	_ =	swait.ge [sflag:s31], $0x2800  }
0x1a: {  	s5 =	stileid.u32;
	[sflag:s31] =	ssyncset.done $0x0  }
0x1b: {  	s5 =	sshll.u32 s5, $0x6;
	[sflag:s31] =	ssyncadd.s32 $0xFFFFD800  }
0x1c: {  	s10 =	sshrl.u32 s9, $0x3;
	s5 =	sor.u32 $0x1C04, s5;
	[bflag:$0x0] =	sbarrier.arrive $0xFFFF  }
0x1d: {  	[hbm:s22], [sflag:s5] =	dma.local [spmem:s10], $0x2700  }
0x1e: {  	_ =	swait.ge [sflag:s26], $0x2700  }
0x1f: {  	s4 =	sadd.s32 $0x1, s4;
	[sflag:s26] =	ssyncset.done $0x0  }
0x20: {  	p1 =	sne.s32 s4, s24;
	s10 =	sshrl.u32 @!p0 s18, $0x3;
	[sflag:s26] =	ssyncadd.s32 $0xFFFFD900  }
0x21: {  	[hbm:s23], [sflag:s5] =	dma.local @!p0 [spmem:s10], $0x100  }
.Ltmp1:
0x22: {  	_ = 	snop;
	(pc) =	sbr.rel @!p1 .LBB2_11-.Ltmp1, $4  }
0x23: {  	s5 =	simm.s32 @!p0 $0x4  }
0x24: {  	_ =	swait.ge @!p0 [sflag:s5], $0x100  }
0x25: {  	[sflag:s5] =	ssyncset.done @!p0 $0x0  }
0x26: {  	[sflag:s5] =	ssyncadd.s32 @!p0 $0xFFFFFF00  }
.LBB2_1:
0x27: {  	s10 =	simm.s32 $0x0  }
0x28: {  	s5 =	sand.u32 $0xFE00, s10  }
0x29: {  	s10 =	sand.u32 $0x70, s10;
	s11 =	sshrl.u32 s5, $0x2  }
0x2a: {  	s5 =	simm.s32 $0x40;
	s11 =	sor.u32 s10, s11;
	s10 =	simm.s32 $0x0  }
.LBB2_2:
0x2b: {  	p1 =	sne.s32 s5, $0x9FC0  }
0x2c: {  	[tilespmem:s11+$0x1A80] =	vst v0;
	s10 =	sadd.s32 $0x10, s10;
	s11 =	smov.u32 s5;
	s5 =	sadd.s32 $0x40, s5  }
.Ltmp2:
0x2d: {  	(pc) =	sbr.rel @p1 .LBB2_2-.Ltmp2, $4  }
0x2e: {  	_ = 	snop  }
0x2f: {  	s11 =	sand.u32 $0xFE00, s11  }
0x30: {  	s12 =	sand.u32 $0x70, s10;
	s11 =	sshrl.u32 s11, $0x2  }
0x31: {  	s11 =	sor.u32 s12, s11  }
0x32: {  	[tilespmem:s11+$0x1A80] =	vst v0  }
0x33: {  	[spmem:s9] =	stream.linear.scatter [tilespmem:s25], [sflag:$0x4], $0x2800, $0x38;
	[tilespmem:$0x1CB00] =	vst v63  }
0x34: {  	_ =	swait.ge [sflag:s26], $0x2800  }
0x35: {  	[sflag:s26] =	ssyncset.done $0x0  }
0x36: {  	s5 =	rddreg [dreg:$0x5];
	[sflag:s26] =	ssyncadd.s32 $0xFFFFD800  }
0x37: {  	[spmem:s5] =	stream.linear.scatter [tilespmem:s25], [sflag:$0x4], $0x2800, $0x38;
	[tilespmem:$0x1CB00] =	vst v63  }
0x38: {  	_ =	swait.ge [sflag:s26], $0x2800  }
0x39: {  	[sflag:s26] =	ssyncset.done $0x0  }
0x3a: {  	s21 =	rddreg [dreg:$0x6];
	[sflag:s26] =	ssyncadd.s32 $0xFFFFD800  }
0x3b: {  	[spmem:s21] =	stream.linear.scatter [tilespmem:s25], [sflag:$0x4], $0x2800, $0x38;
	[tilespmem:$0x1CB00] =	vst v63  }
0x3c: {  	_ =	swait.ge [sflag:s26], $0x2800  }
0x3d: {  	[sflag:s26] =	ssyncset.done $0x0  }
0x3e: {  	s10 =	rddreg [dreg:$0x7];
	[sflag:s26] =	ssyncadd.s32 $0xFFFFD800  }
0x3f: {  	[spmem:s10] =	stream.linear.scatter [tilespmem:s25], [sflag:$0x4], $0x2800, $0x38;
	[tilespmem:$0x1CB00] =	vst v63  }
0x40: {  	_ =	swait.ge [sflag:s26], $0x2800  }
0x41: {  	[sflag:s26] =	ssyncset.done $0x0  }
0x42: {  	s11 =	rddreg [dreg:$0x8];
	[sflag:s26] =	ssyncadd.s32 $0xFFFFD800  }
0x43: {  	[spmem:s11] =	stream.linear.scatter [tilespmem:s25], [sflag:$0x4], $0x2800, $0x38;
	[tilespmem:$0x1CB00] =	vst v63  }
0x44: {  	_ =	swait.ge [sflag:s26], $0x2800  }
0x45: {  	[sflag:s26] =	ssyncset.done $0x0  }
0x46: {  	s12 =	rddreg [dreg:$0x9];
	[sflag:s26] =	ssyncadd.s32 $0xFFFFD800  }
0x47: {  	[spmem:s12] =	stream.linear.scatter [tilespmem:s25], [sflag:$0x4], $0x2800, $0x38;
	[tilespmem:$0x1CB00] =	vst v63  }
0x48: {  	_ =	swait.ge [sflag:s26], $0x2800  }
0x49: {  	[sflag:s26] =	ssyncset.done $0x0  }
0x4a: {  	s14 =	rddreg [dreg:$0xa];
	[sflag:s26] =	ssyncadd.s32 $0xFFFFD800  }
0x4b: {  	[spmem:s14] =	stream.linear.scatter [tilespmem:s25], [sflag:$0x4], $0x2800, $0x38;
	[tilespmem:$0x1CB00] =	vst v63  }
0x4c: {  	_ =	swait.ge [sflag:s26], $0x2800  }
0x4d: {  	[sflag:s26] =	ssyncset.done $0x0  }
0x4e: {  	s15 =	rddreg [dreg:$0xb];
	[sflag:s26] =	ssyncadd.s32 $0xFFFFD800  }
0x4f: {  	[spmem:s15] =	stream.linear.scatter [tilespmem:s25], [sflag:$0x4], $0x2000, $0x38;
	[tilespmem:$0x1CB00] =	vst v63  }
0x50: {  	_ =	swait.ge [sflag:s26], $0x2000  }
0x51: {  	[sflag:s26] =	ssyncset.done $0x0  }
0x52: {  	s5 =	simm.s32 @!p0 $0x1A80;
	[sflag:s26] =	ssyncadd.s32 $0xFFFFE000  }
0x53: {  	[spmem:s18] =	stream.linear.scatter @!p0 [tilespmem:s5], [sflag:$0x4], $0x800, $0x38;
	[tilespmem:$0x1CB00] =	vst v63  }
0x54: {  	s5 =	simm.s32 @!p0 $0x4  }
0x55: {  	_ =	swait.ge @!p0 [sflag:s5], $0x800  }
0x56: {  	[sflag:s5] =	ssyncset.done @!p0 $0x0  }
0x57: {  	[sflag:s5] =	ssyncadd.s32 @!p0 $0xFFFFF800  }
0x58: {  	[bflag:$0x0] =	sbarrier.arrive $0xFFFF  }
0x59: {  	s5 =	simm.s32 $0x0;
	s10 =	rddreg [dreg:$0xc]  }
0x5a: {  	[tilespmem:s5], [sflag:$0x4] =	stream.linear.gather [hbm4b:s10+s5], $0x280, $0x38;
	[tilespmem:$0x1CB00] =	vst v63  }
0x5b: {  	_ =	swait.ge [sflag:s26], $0x280  }
0x5c: {  	[sflag:s26] =	ssyncset.done $0x0  }
0x5d: {  	s17 =	simm.s32 $0x800;
	s16 =	rddreg [dreg:$0xd];
	[sflag:s26] =	ssyncadd.s32 $0xFFFFFD80  }
0x5e: {  	[tilespmem:s17], [sflag:$0x4] =	stream.linear.gather [hbm4b:s16+s5], $0x280, $0x38;
	[tilespmem:$0x1CB00] =	vst v63  }
0x5f: {  	_ =	swait.ge [sflag:s26], $0x280  }
0x60: {  	[sflag:s26] =	ssyncset.done $0x0  }
0x61: {  	s20 =	simm.s32 $0x1000;
	s19 =	rddreg [dreg:$0xe];
	[sflag:s26] =	ssyncadd.s32 $0xFFFFFD80  }
0x62: {  	[tilespmem:s20], [sflag:$0x4] =	stream.linear.gather [hbm4b:s19+s5], $0x280, $0x38;
	[tilespmem:$0x1CB00] =	vst v63  }
0x63: {  	_ =	swait.ge [sflag:s26], $0x280  }
.Ltmp3:
0x64: {  	[sflag:s26] =	ssyncset.done $0x0;
	(pc) =	sbr.rel .LBB2_4-.Ltmp3, $4  }
0x65: {  	[sflag:s26] =	ssyncadd.s32 $0xFFFFFD80  }
0x66: {  	[tilespmem:s25], [sflag:$0x1] =	stream.indirect.gather [hbm4b:s1+s30], $0x80, s5, s30, $0xb8;
	[tilespmem:$0x1CB00] =	vst v63  }
0x67: {  	s21 =	simm.s32 $0x1880;
	s12 =	simm.s32 $0x0;
	s19 =	simm.s32 $0x1E70  }
0x68: {  	[tilespmem:s21], [sflag:$0x3] =	stream.indirect.gather [hbm4b:s2+s30], $0x1, s5, s30, $0xb8;
	[tilespmem:$0x1CB00] =	vst v63  }
.LBB2_8:
0x69: {  	s14 =	sshrl.u32 s14, $0x2  }
0x6a: {  	s14 =	smul.u32 $0x5, s14;
	_ =	sdelay $0x1  }
0x6b: {  	p2 =	sgt.u32 s11, $0x7A;
	s14 =	ssub.s32 s11, s14  }
0x6c: {  	_ =	swait.ge [sflag:s31], $0x2800;
	p3 =	sne.s32 @!p2 s14, $0x3  }
0x6d: {  	[sflag:s31] =	ssyncset.done $0x0;
	p1 =	por p3, p2  }
0x6e: {  	[sflag:s31] =	ssyncadd.s32 $0xFFFFD800;
	s11 =	smul.u32 @!p1 $0xCD, s11  }
0x6f: {  	[spmem:s3] =	stream.indirect.scatter.add.f32 [tilespmem:s16], [sflag:$0x2], $0x80, s10, s30, $0xb8;
	[tilespmem:$0x1CB00] =	vst v63  }
0x70: {  	s10 =	sshrl.u32 @!p1 s11, $0xA  }
0x71: {  	s10 =	sand.u32 @!p1 $0x3F, s10  }
0x72: {  	s10 =	sadd.s32 @!p1 $0x1, s10  }
0x73: {  	s11 =	sand.u32 @!p1 $0x1, s10  }
0x74: {  	s10 =	sshll.u32 @!p1 s10, $0xA;
	p4 =	seq.s32 @!p1 s11, $0x1  }
0x75: {  	s10 =	sadd.s32 @!p1 s13, s10;
	p3 =	por @!p2 !p4, p3  }
0x76: {  	s11 =	simm.s32 @!p1 $0x280;
	s10 =	sshrl.u32 @!p1 s10, $0x3;
	p2 =	por !p3, p2  }
0x77: {  	s15 =	simm.s32 @!p1 $0x0;
	s14 =	sadd.s32 @!p1 s6, s10;
	s11 =	simm.s32 @!p2 $0x0  }
0x78: {  	[tilespmem:s11], [sflag:$0x5] =	stream.linear.gather @!p1 [hbm4b:s14+s15], $0x280, $0x38;
	[tilespmem:$0x1CB00] =	vst v63  }
0x79: {  	s14 =	simm.s32 @!p1 $0x5  }
0x7a: {  	_ =	swait.ge @!p1 [sflag:s14], $0x280  }
0x7b: {  	[sflag:s14] =	ssyncset.done @!p1 $0x0  }
0x7c: {  	s17 =	sadd.s32 @!p1 s7, s10;
	s16 =	sor.u32 @!p1 $0x800, s11;
	[sflag:s14] =	ssyncadd.s32 @!p1 $0xFFFFFD80  }
0x7d: {  	[tilespmem:s16], [sflag:$0x5] =	stream.linear.gather @!p1 [hbm4b:s17+s15], $0x280, $0x38;
	[tilespmem:$0x1CB00] =	vst v63  }
0x7e: {  	_ =	swait.ge @!p1 [sflag:s14], $0x280  }
0x7f: {  	[sflag:s14] =	ssyncset.done @!p1 $0x0  }
0x80: {  	s10 =	sadd.s32 @!p1 s8, s10;
	s11 =	sor.u32 @!p1 $0x1000, s11;
	[sflag:s14] =	ssyncadd.s32 @!p1 $0xFFFFFD80  }
0x81: {  	[tilespmem:s11], [sflag:$0x4] =	stream.linear.gather @!p1 [hbm4b:s10+s15], $0x280, $0x38;
	[tilespmem:$0x1CB00] =	vst v63  }
0x82: {  	s10 =	simm.s32 @!p1 $0x4  }
0x83: {  	_ =	swait.ge @!p1 [sflag:s10], $0x280  }
0x84: {  	[sflag:s10] =	ssyncset.done @!p1 $0x0  }
0x85: {  	[sflag:s10] =	ssyncadd.s32 @!p1 $0xFFFFFD80  }
.LBB2_9:
0x86: {  	p1 =	sne.s32 s12, $0x7D  }
.Ltmp4:
0x87: {  	_ = 	snop;
	(pc) =	sbr.rel @!p1 .LBB2_10-.Ltmp4, $2  }
0x88: {  	_ =	sdelay $0x2  }
0x89: {  	s19 =	sadd.s32 $0x2800, s19  }
.LBB2_4:
0x8a: {  	s11 =	smov.u32 s12  }
0x8b: {  	s12 =	sadd.s32 $0x1, s12;
	p1 =	seq.s32 s11, $0x7C  }
0x8c: {  	s10 =	smul.u32 @!p1 $0xAB, s12  }
0x8d: {  	s14 =	smul.u32 @!p1 $0xCD, s12  }
0x8e: {  	_ =	swait.ge [sflag:s0], $0x2800;
	s10 =	sshrl.u32 @!p1 s10, $0x9  }
0x8f: {  	s15 =	smul.u32 $0xAB, s11;
	s14 =	sshrl.u32 @!p1 s14, $0xB;
	s10 =	sand.u32 @!p1 $0x7F, s10  }
0x90: {  	[sflag:s0] =	ssyncset.done $0x0;
	s14 =	sand.u32 @!p1 $0x1F, s14;
	s10 =	smul.u32 @!p1 $0x3, s10  }
0x91: {  	[sflag:s0] =	ssyncadd.s32 $0xFFFFD800;
	s14 =	smul.u32 @!p1 $0xA, s14  }
0x92: {  	s20 =	simm.s32 @!p1 $0x50;
	s15 =	sshrl.u32 s15, $0x9;
	s10 =	ssub.s32 @!p1 s12, s10  }
0x93: {  	_ =	swait.ge [sflag:s28], $0x50;
	s14 =	ssub.s32 @!p1 s12, s14;
	s10 =	sand.u32 @!p1 $0xFF, s10  }
0x94: {  	s15 =	sand.u32 $0x7F, s15;
	s14 =	sand.u32 @!p1 $0xFF, s14;
	s16 =	smul.u32 @!p1 $0xA000, s10  }
0x95: {  	[sflag:s28] =	ssyncset.done $0x0;
	s17 =	sshll.u32 @!p1 s14, $0x7;
	s14 =	smulhi.u32 $0xCCCCCCCD, s11  }
0x96: {  	[sflag:s28] =	ssyncadd.s32 $0xFFFFFFB0;
	s15 =	smul.u32 $0x3, s15;
	s16 =	sshrl.u32 @!p1 s16, $0x2  }
0x97: {  	s10 =	sshll.u32 @!p1 s10, $0x7;
	s21 =	sshrl.u32 s14, $0x3;
	s16 =	sadd.s32 @!p1 $0x1A80, s16  }
0x98: {  	[tilespmem:s16], [sflag:$0x1] =	stream.indirect.gather @!p1 [hbm4b:s1+s20], $0x80, s17, s20, $0xb8;
	[tilespmem:$0x1CB00] =	vst v63  }
0x99: {  	s10 =	sadd.s32 @!p1 $0x1880, s10;
	s16 =	smul.u32 $0xA, s21  }
0x9a: {  	[tilespmem:s10], [sflag:$0x3] =	stream.indirect.gather @!p1 [hbm4b:s2+s20], $0x1, s17, s20, $0xb8;
	[tilespmem:$0x1CB00] =	vst v63  }
0x9b: {  	s15 =	ssub.s32 s11, s15;
	s17 =	ssub.s32 s11, s16  }
0x9c: {  	s10 =	sand.u32 $0xFF, s15;
	s15 =	sshll.u32 s17, $0x9  }
0x9d: {  	s16 =	sshll.u32 s10, $0x7;
	s15 =	sshrl.u32 s15, $0x2  }
0x9e: {  	v1 =	vld [tilespmem:s16+$0x1880];
	s20 =	sor.u32 $0x1000, s15  }
0x9f: {  	v2 =	vld [tilespmem:s20+$0x0];
	_ =	sdelay $0x4  }
0xa0: {  	v1 =	vmul.f32 v2, v1;
	_ =	sdelay $0x1  }
0xa1: {  	[tilespmem:$0x1800] =	vst v1  }
0xa2: {  	s21 =	sor.u32 $0x1010, s15;
	v1 =	vld [tilespmem:s16+$0x1890]  }
0xa3: {  	v2 =	vld [tilespmem:s21+$0x0];
	_ =	sdelay $0x4  }
0xa4: {  	v1 =	vmul.f32 v2, v1;
	_ =	sdelay $0x1  }
0xa5: {  	[tilespmem:$0x1810] =	vst v1  }
0xa6: {  	s20 =	sor.u32 $0x1020, s15;
	v1 =	vld [tilespmem:s16+$0x18A0]  }
0xa7: {  	v2 =	vld [tilespmem:s20+$0x0];
	_ =	sdelay $0x4  }
0xa8: {  	v1 =	vmul.f32 v2, v1;
	_ =	sdelay $0x1  }
0xa9: {  	[tilespmem:$0x1820] =	vst v1  }
0xaa: {  	s21 =	sor.u32 $0x1030, s15;
	v1 =	vld [tilespmem:s16+$0x18B0]  }
0xab: {  	v2 =	vld [tilespmem:s21+$0x0];
	_ =	sdelay $0x4  }
0xac: {  	v1 =	vmul.f32 v2, v1;
	_ =	sdelay $0x1  }
0xad: {  	[tilespmem:$0x1830] =	vst v1  }
0xae: {  	s17 =	sor.u32 $0x1040, s15;
	v1 =	vld [tilespmem:s16+$0x18C0]  }
0xaf: {  	v2 =	vld [tilespmem:s17+$0x0];
	_ =	sdelay $0x2  }
0xb0: {  	s20 =	simm.s32 $0x7;
	s21 =	simm.s32 $0x1  }
0xb1: {  	v3 =	vmov s20;
	v4 =	vmov s21  }
0xb2: {  	v4 =	vand.u32 $0xFFFFFFF9, v4;
	s17 =	simm.s32 $0x2;
	v1 =	vmul.f32 v2, v1;
	v2 =	vmov s5  }
0xb3: {  	s20 =	simm.s32 $0x3;
	v6 =	vbroadcast v4, $0x0;
	v5 =	vmov s17;
	v2 =	vand.u32 $0xFFFFFFF8, v2  }
0xb4: {  	s21 =	simm.s32 $0x4;
	s17 =	smulhi.u32 $0xAAAAAAAB, s11;
	v4 =	vand.u32 $0xFFFFFFFA, v5;
	v5 =	vmov s20;
	v2 =	vbroadcast v2, $0x0  }
0xb5: {  	s20 =	simm.s32 $0x5;
	v7 =	vbroadcast v4, $0x0;
	v4 =	vand.u32 $0xFFFFFFFB, v5;
	v5 =	vmov s21  }
0xb6: {  	s17 =	sshrl.u32 s17, $0x1;
	v9 =	vbroadcast v4, $0x0;
	v4 =	vand.u32 $0xFFFFFFFC, v5;
	v5 =	vmov s20  }
0xb7: {  	s21 =	smul.u32 $0xFFFE2000, s17;
	v12 =	vbroadcast v4, $0x0;
	[tilespmem:$0x1840] =	vst v1;
	v1 =	vand.u32 $0xFFFFFFFD, v5  }
0xb8: {  	s20 =	simm.s32 $0x6;
	v4 =	vld.idx.msk [tilespmem:v3+s29+$0x0], $0xffff;
	v3 =	vbroadcast v1, $0x0  }
0xb9: {  	s16 =	sshra.s32 s21, $0x2;
	v1 =	vmov s20;
	v10 =	vld.idx.msk [tilespmem:v6+s29+$0x0], $0xffff  }
0xba: {  	v11 =	vld.idx.msk [tilespmem:v2+s29+$0x0], $0xffff;
	v2 =	vand.u32 $0xFFFFFFFE, v1;
	v1 =	vmov s16  }
0xbb: {  	v8 =	vld.idx.msk [tilespmem:v7+s29+$0x0], $0xffff;
	v2 =	vbroadcast v2, $0x0  }
0xbc: {  	v7 =	vld.idx.msk [tilespmem:v9+s29+$0x0], $0xffff  }
0xbd: {  	v6 =	vld.idx.msk [tilespmem:v12+s29+$0x0], $0xffff  }
0xbe: {  	v5 =	vld.idx.msk [tilespmem:v3+s29+$0x0], $0xffff  }
0xbf: {  	v3 =	vld.idx.msk [tilespmem:v1+s19+$0xFFFFFF10 ss:$0x1], $0xffff  }
0xc0: {  	v9 =	vld.idx.msk [tilespmem:v1+s19+$0xFFFFFC90 ss:$0x1], $0xffff  }
0xc1: {  	v12 =	vld.idx.msk [tilespmem:v2+s29+$0x0], $0xffff  }
0xc2: {  	s21 =	simm.s32 $0xF;
	v2 =	vld.idx.msk [tilespmem:v1+s19+$0xFFFFFC10 ss:$0x1], $0xffff  }
0xc3: {  	v13 =	vmov s21;
	v14 =	vld.idx.msk [tilespmem:v1+s19+$0xFFFFFD10 ss:$0x1], $0xffff  }
0xc4: {  	v15 =	vld.idx.msk [tilespmem:v1+s19+$0xFFFFFD90 ss:$0x1], $0xffff  }
0xc5: {  	v16 =	vld.idx.msk [tilespmem:v1+s19+$0xFFFFFE10 ss:$0x1], $0xffff;
	v9 =	vmul.f32 v9, v10  }
0xc6: {  	v17 =	vld.idx.msk [tilespmem:v1+s19+$0xFFFFFE90 ss:$0x1], $0xffff;
	v3 =	vmul.f32 v3, v12  }
0xc7: {  	v19 =	vld.idx.msk [tilespmem:v1+s19+$0xFFFFFF90 ss:$0x1], $0xffff;
	v18 =	vmul.f32 v2, v11;
	[tilespmem:v1+s19+$0xFFFFFC90 ss:$0x1] =	vst.idx.msk $0xffff, v9  }
0xc8: {  	v2 =	vld.idx.msk [tilespmem:v13+s29+$0x0], $0xffff;
	v13 =	vmul.f32 v14, v8;
	[tilespmem:v1+s19+$0xFFFFFF10 ss:$0x1] =	vst.idx.msk $0xffff, v3  }
0xc9: {  	s17 =	simm.s32 $0x8;
	v9 =	vmul.f32 v15, v7;
	v15 =	vld.idx.msk [tilespmem:v1+s19+$0xFFFFFCA0 ss:$0x1], $0xffff;
	[tilespmem:v1+s19+$0xFFFFFC10 ss:$0x1] =	vst.idx.msk $0xffff, v18  }
0xca: {  	v3 =	vmov s17;
	[tilespmem:v1+s19+$0xFFFFFD10 ss:$0x1] =	vst.idx.msk $0xffff, v13;
	v13 =	vmul.f32 v16, v6;
	v14 =	vld.idx.msk [tilespmem:v1+s19+$0xFFFFFF20 ss:$0x1], $0xffff  }
0xcb: {  	[tilespmem:v1+s19+$0xFFFFFD90 ss:$0x1] =	vst.idx.msk $0xffff, v9;
	v9 =	vmul.f32 v17, v5;
	v3 =	vand.u32 $0xFFFFFFF8, v3;
	v18 =	vld.idx.msk [tilespmem:v1+s19+$0xFFFFFC20 ss:$0x1], $0xffff  }
0xcc: {  	v17 =	vld.idx.msk [tilespmem:v1+s19+$0xFFFFFDA0 ss:$0x1], $0xffff;
	v3 =	vbroadcast v3, $0x0;
	[tilespmem:v1+s19+$0xFFFFFE10 ss:$0x1] =	vst.idx.msk $0xffff, v13  }
0xcd: {  	v16 =	vld.idx.msk [tilespmem:v1+s19+$0xFFFFFD20 ss:$0x1], $0xffff;
	v13 =	vmul.f32 v19, v4;
	[tilespmem:v1+s19+$0xFFFFFE90 ss:$0x1] =	vst.idx.msk $0xffff, v9  }
0xce: {  	v9 =	vld.idx.msk [tilespmem:v1+s19+$0xFFFFFEA0 ss:$0x1], $0xffff;
	v15 =	vmul.f32 v15, v10  }
0xcf: {  	v19 =	vld.idx.msk [tilespmem:v1+s19+$0xFFFFFE20 ss:$0x1], $0xffff;
	[tilespmem:v1+s19+$0xFFFFFF90 ss:$0x1] =	vst.idx.msk $0xffff, v13;
	v14 =	vmul.f32 v14, v12  }
0xd0: {  	v13 =	vmul.f32 v18, v11;
	v18 =	vld.idx.msk [tilespmem:v1+s19+$0xFFFFFFA0 ss:$0x1], $0xffff;
	[tilespmem:v1+s19+$0xFFFFFCA0 ss:$0x1] =	vst.idx.msk $0xffff, v15  }
0xd1: {  	s20 =	simm.s32 $0x9;
	v15 =	vmul.f32 v17, v7;
	v17 =	vld.idx.msk [tilespmem:v1+s19+$0xFFFFFCB0 ss:$0x1], $0xffff;
	[tilespmem:v1+s19+$0xFFFFFF20 ss:$0x1] =	vst.idx.msk $0xffff, v14  }
0xd2: {  	v3 =	vld.idx.msk [tilespmem:v3+s29+$0x0], $0xffff;
	v14 =	vmov s20;
	[tilespmem:v1+s19+$0xFFFFFC20 ss:$0x1] =	vst.idx.msk $0xffff, v13;
	v13 =	vmul.f32 v16, v8  }
0xd3: {  	[tilespmem:v1+s19+$0xFFFFFDA0 ss:$0x1] =	vst.idx.msk $0xffff, v15;
	v9 =	vmul.f32 v9, v5;
	v16 =	vld.idx.msk [tilespmem:v1+s19+$0xFFFFFF30 ss:$0x1], $0xffff;
	v14 =	vand.u32 $0xFFFFFFF9, v14  }
0xd4: {  	v20 =	vld.idx.msk [tilespmem:v1+s19+$0xFFFFFC30 ss:$0x1], $0xffff;
	v14 =	vbroadcast v14, $0x0;
	[tilespmem:v1+s19+$0xFFFFFD20 ss:$0x1] =	vst.idx.msk $0xffff, v13;
	v13 =	vmul.f32 v19, v6  }
0xd5: {  	v15 =	vld.idx.msk [tilespmem:v1+s19+$0xFFFFFDB0 ss:$0x1], $0xffff;
	[tilespmem:v1+s19+$0xFFFFFEA0 ss:$0x1] =	vst.idx.msk $0xffff, v9  }
0xd6: {  	v19 =	vld.idx.msk [tilespmem:v1+s19+$0xFFFFFD30 ss:$0x1], $0xffff;
	[tilespmem:v1+s19+$0xFFFFFE20 ss:$0x1] =	vst.idx.msk $0xffff, v13;
	v13 =	vmul.f32 v18, v4  }
0xd7: {  	v21 =	vld.idx.msk [tilespmem:v1+s19+$0xFFFFFEB0 ss:$0x1], $0xffff  }
0xd8: {  	v18 =	vld.idx.msk [tilespmem:v1+s19+$0xFFFFFE30 ss:$0x1], $0xffff;
	v16 =	vmul.f32 v16, v12;
	[tilespmem:v1+s19+$0xFFFFFFA0 ss:$0x1] =	vst.idx.msk $0xffff, v13  }
0xd9: {  	v13 =	vmul.f32 v20, v11;
	v20 =	vld.idx.msk [tilespmem:v1+s19+$0xFFFFFFB0 ss:$0x1], $0xffff  }
0xda: {  	s21 =	simm.s32 $0xA;
	v9 =	vld.idx.msk [tilespmem:v14+s29+$0x0], $0xffff;
	v14 =	vmul.f32 v17, v10;
	[tilespmem:v1+s19+$0xFFFFFF30 ss:$0x1] =	vst.idx.msk $0xffff, v16  }
0xdb: {  	v16 =	vmov s21;
	[tilespmem:v1+s19+$0xFFFFFC30 ss:$0x1] =	vst.idx.msk $0xffff, v13;
	v13 =	vmul.f32 v19, v8;
	v17 =	vld.idx.msk [tilespmem:v1+s19+$0xFFFFFF40 ss:$0x1], $0xffff  }
0xdc: {  	v16 =	vand.u32 $0xFFFFFFFA, v16;
	v19 =	vld.idx.msk [tilespmem:v1+s19+$0xFFFFFC40 ss:$0x1], $0xffff;
	[tilespmem:v1+s19+$0xFFFFFCB0 ss:$0x1] =	vst.idx.msk $0xffff, v14;
	v14 =	vmul.f32 v15, v7  }
0xdd: {  	v15 =	vbroadcast v16, $0x0;
	[tilespmem:v1+s19+$0xFFFFFD30 ss:$0x1] =	vst.idx.msk $0xffff, v13;
	v13 =	vmul.f32 v18, v6;
	v16 =	vld.idx.msk [tilespmem:v1+s19+$0xFFFFFCC0 ss:$0x1], $0xffff  }
0xde: {  	v18 =	vld.idx.msk [tilespmem:v1+s19+$0xFFFFFD40 ss:$0x1], $0xffff;
	[tilespmem:v1+s19+$0xFFFFFDB0 ss:$0x1] =	vst.idx.msk $0xffff, v14;
	v14 =	vmul.f32 v21, v5  }
0xdf: {  	[tilespmem:v1+s19+$0xFFFFFE30 ss:$0x1] =	vst.idx.msk $0xffff, v13;
	v13 =	vmul.f32 v20, v4;
	v21 =	vld.idx.msk [tilespmem:v1+s19+$0xFFFFFDC0 ss:$0x1], $0xffff  }
0xe0: {  	v20 =	vld.idx.msk [tilespmem:v1+s19+$0xFFFFFE40 ss:$0x1], $0xffff;
	[tilespmem:v1+s19+$0xFFFFFEB0 ss:$0x1] =	vst.idx.msk $0xffff, v14  }
0xe1: {  	v17 =	vmul.f32 v17, v12;
	[tilespmem:v1+s19+$0xFFFFFFB0 ss:$0x1] =	vst.idx.msk $0xffff, v13;
	v14 =	vld.idx.msk [tilespmem:v1+s19+$0xFFFFFEC0 ss:$0x1], $0xffff  }
0xe2: {  	v19 =	vmul.f32 v19, v11;
	v22 =	vld.idx.msk [tilespmem:v1+s19+$0xFFFFFFC0 ss:$0x1], $0xffff  }
0xe3: {  	s17 =	simm.s32 $0xB;
	v13 =	vld.idx.msk [tilespmem:v15+s29+$0x0], $0xffff;
	v15 =	vmul.f32 v16, v10;
	[tilespmem:v1+s19+$0xFFFFFF40 ss:$0x1] =	vst.idx.msk $0xffff, v17  }
0xe4: {  	v16 =	vmov s17;
	[tilespmem:v1+s19+$0xFFFFFC40 ss:$0x1] =	vst.idx.msk $0xffff, v19;
	v17 =	vmul.f32 v18, v8;
	v18 =	vld.idx.msk [tilespmem:v1+s19+$0xFFFFFF50 ss:$0x1], $0xffff  }
0xe5: {  	v16 =	vand.u32 $0xFFFFFFFB, v16;
	v19 =	vld.idx.msk [tilespmem:v1+s19+$0xFFFFFC50 ss:$0x1], $0xffff;
	[tilespmem:v1+s19+$0xFFFFFCC0 ss:$0x1] =	vst.idx.msk $0xffff, v15;
	v15 =	vmul.f32 v21, v7  }
0xe6: {  	v16 =	vbroadcast v16, $0x0;
	[tilespmem:v1+s19+$0xFFFFFD40 ss:$0x1] =	vst.idx.msk $0xffff, v17;
	v17 =	vmul.f32 v20, v6;
	v21 =	vld.idx.msk [tilespmem:v1+s19+$0xFFFFFCD0 ss:$0x1], $0xffff  }
0xe7: {  	v20 =	vld.idx.msk [tilespmem:v1+s19+$0xFFFFFD50 ss:$0x1], $0xffff;
	[tilespmem:v1+s19+$0xFFFFFDC0 ss:$0x1] =	vst.idx.msk $0xffff, v15;
	v14 =	vmul.f32 v14, v5  }
0xe8: {  	[tilespmem:v1+s19+$0xFFFFFE40 ss:$0x1] =	vst.idx.msk $0xffff, v17;
	v17 =	vmul.f32 v22, v4;
	v15 =	vld.idx.msk [tilespmem:v1+s19+$0xFFFFFDD0 ss:$0x1], $0xffff  }
0xe9: {  	v22 =	vld.idx.msk [tilespmem:v1+s19+$0xFFFFFE50 ss:$0x1], $0xffff;
	[tilespmem:v1+s19+$0xFFFFFEC0 ss:$0x1] =	vst.idx.msk $0xffff, v14  }
0xea: {  	v18 =	vmul.f32 v18, v12;
	[tilespmem:v1+s19+$0xFFFFFFC0 ss:$0x1] =	vst.idx.msk $0xffff, v17;
	v23 =	vld.idx.msk [tilespmem:v1+s19+$0xFFFFFED0 ss:$0x1], $0xffff  }
0xeb: {  	v17 =	vmul.f32 v19, v11;
	v19 =	vld.idx.msk [tilespmem:v1+s19+$0xFFFFFFD0 ss:$0x1], $0xffff  }
0xec: {  	s20 =	simm.s32 $0xC;
	v14 =	vld.idx.msk [tilespmem:v16+s29+$0x0], $0xffff;
	v16 =	vmul.f32 v21, v10;
	[tilespmem:v1+s19+$0xFFFFFF50 ss:$0x1] =	vst.idx.msk $0xffff, v18  }
0xed: {  	v18 =	vmov s20;
	[tilespmem:v1+s19+$0xFFFFFC50 ss:$0x1] =	vst.idx.msk $0xffff, v17;
	v17 =	vmul.f32 v20, v8;
	v20 =	vld.idx.msk [tilespmem:v1+s19+$0xFFFFFF60 ss:$0x1], $0xffff  }
0xee: {  	v18 =	vand.u32 $0xFFFFFFFC, v18;
	v21 =	vld.idx.msk [tilespmem:v1+s19+$0xFFFFFC60 ss:$0x1], $0xffff;
	[tilespmem:v1+s19+$0xFFFFFCD0 ss:$0x1] =	vst.idx.msk $0xffff, v16;
	v15 =	vmul.f32 v15, v7  }
0xef: {  	v16 =	vbroadcast v18, $0x0;
	[tilespmem:v1+s19+$0xFFFFFD50 ss:$0x1] =	vst.idx.msk $0xffff, v17;
	v17 =	vmul.f32 v22, v6;
	v18 =	vld.idx.msk [tilespmem:v1+s19+$0xFFFFFCE0 ss:$0x1], $0xffff  }
0xf0: {  	v22 =	vld.idx.msk [tilespmem:v1+s19+$0xFFFFFD60 ss:$0x1], $0xffff;
	[tilespmem:v1+s19+$0xFFFFFDD0 ss:$0x1] =	vst.idx.msk $0xffff, v15;
	v15 =	vmul.f32 v23, v5  }
0xf1: {  	[tilespmem:v1+s19+$0xFFFFFE50 ss:$0x1] =	vst.idx.msk $0xffff, v17;
	v17 =	vmul.f32 v19, v4;
	v23 =	vld.idx.msk [tilespmem:v1+s19+$0xFFFFFDE0 ss:$0x1], $0xffff  }
0xf2: {  	v19 =	vld.idx.msk [tilespmem:v1+s19+$0xFFFFFE60 ss:$0x1], $0xffff;
	[tilespmem:v1+s19+$0xFFFFFED0 ss:$0x1] =	vst.idx.msk $0xffff, v15  }
0xf3: {  	v20 =	vmul.f32 v20, v12;
	[tilespmem:v1+s19+$0xFFFFFFD0 ss:$0x1] =	vst.idx.msk $0xffff, v17;
	v24 =	vld.idx.msk [tilespmem:v1+s19+$0xFFFFFEE0 ss:$0x1], $0xffff  }
0xf4: {  	v17 =	vmul.f32 v21, v11;
	v21 =	vld.idx.msk [tilespmem:v1+s19+$0xFFFFFFE0 ss:$0x1], $0xffff  }
0xf5: {  	s21 =	simm.s32 $0xD;
	v15 =	vld.idx.msk [tilespmem:v16+s29+$0x0], $0xffff;
	v16 =	vmul.f32 v18, v10;
	[tilespmem:v1+s19+$0xFFFFFF60 ss:$0x1] =	vst.idx.msk $0xffff, v20  }
0xf6: {  	v18 =	vmov s21;
	[tilespmem:v1+s19+$0xFFFFFC60 ss:$0x1] =	vst.idx.msk $0xffff, v17;
	v17 =	vmul.f32 v22, v8;
	v22 =	vld.idx.msk [tilespmem:v1+s19+$0xFFFFFF70 ss:$0x1], $0xffff  }
0xf7: {  	v18 =	vand.u32 $0xFFFFFFFD, v18;
	v25 =	vld.idx.msk [tilespmem:v1+s19+$0xFFFFFC70 ss:$0x1], $0xffff;
	[tilespmem:v1+s19+$0xFFFFFCE0 ss:$0x1] =	vst.idx.msk $0xffff, v16;
	v16 =	vmul.f32 v23, v7  }
0xf8: {  	v23 =	vbroadcast v18, $0x0;
	[tilespmem:v1+s19+$0xFFFFFD60 ss:$0x1] =	vst.idx.msk $0xffff, v17;
	v17 =	vmul.f32 v19, v6;
	v26 =	vld.idx.msk [tilespmem:v1+s19+$0xFFFFFCF0 ss:$0x1], $0xffff  }
0xf9: {  	v27 =	vld.idx.msk [tilespmem:v1+s19+$0xFFFFFD70 ss:$0x1], $0xffff;
	[tilespmem:v1+s19+$0xFFFFFDE0 ss:$0x1] =	vst.idx.msk $0xffff, v16;
	v16 =	vmul.f32 v24, v5  }
0xfa: {  	[tilespmem:v1+s19+$0xFFFFFE60 ss:$0x1] =	vst.idx.msk $0xffff, v17;
	v18 =	vmul.f32 v21, v4;
	v20 =	vld.idx.msk [tilespmem:v1+s19+$0xFFFFFDF0 ss:$0x1], $0xffff  }
0xfb: {  	s10 =	smul.u32 $0xA000, s10;
	v19 =	vld.idx.msk [tilespmem:v1+s19+$0xFFFFFE70 ss:$0x1], $0xffff;
	[tilespmem:v1+s19+$0xFFFFFEE0 ss:$0x1] =	vst.idx.msk $0xffff, v16  }
0xfc: {  	v21 =	vmul.f32 v22, v12;
	[tilespmem:v1+s19+$0xFFFFFFE0 ss:$0x1] =	vst.idx.msk $0xffff, v18;
	v17 =	vld.idx.msk [tilespmem:v1+s19+$0xFFFFFEF0 ss:$0x1], $0xffff  }
0xfd: {  	s10 =	sshrl.u32 s10, $0x2;
	v63 =	vmul.f32 v25, v11;
	v18 =	vld.idx.msk [tilespmem:v1+s19+$0xFFFFFFF0 ss:$0x1], $0xffff  }
0xfe: {  	s16 =	sadd.s32 $0x1A80, s10;
	s10 =	smov.u32 s19;
	v16 =	vld.idx.msk [tilespmem:v23+s29+$0x0], $0xffff;
	[tilespmem:v1+s19+$0xFFFFFF70 ss:$0x1] =	vst.idx.msk $0xffff, v21;
	v22 =	vmul.f32 v26, v10  }
0xff: {  	s17 =	smov.u32 s19;
	s20 =	simm.s32 $0x10;
	s21 =	simm.s32 $0xE;
	[tilespmem:v1+s19+$0xFFFFFC70 ss:$0x1] =	vst.idx.msk $0xffff, v63;
	v23 =	vmul.f32 v27, v8;
	v21 =	vld.idx.msk [tilespmem:v1+s19+$0xFFFFFF80 ss:$0x1], $0xffff  }
.LBB2_5:
0x100: {  	p1 =	slt.u32 s20, $0x48;
	v24 =	vmov s21;
	v25 =	vld.idx.msk [tilespmem:v1+s17+$0xFFFFFC80 ss:$0x1], $0xffff;
	[tilespmem:v1+s17+$0xFFFFFCF0 ss:$0x1] =	vst.idx.msk $0xffff, v22;
	v20 =	vmul.f32 v20, v7  }
0x101: {  	v19 =	vmul.f32 v19, v6;
	v22 =	vand.u32 $0xFFFFFFFE, v24;
	v24 =	vld.idx.msk [tilespmem:v1+s17+$0xFFFFFD00 ss:$0x1], $0xffff;
	[tilespmem:v1+s17+$0xFFFFFD70 ss:$0x1] =	vst.idx.msk $0xffff, v23  }
0x102: {  	v17 =	vmul.f32 v17, v5;
	v22 =	vbroadcast v22, $0x0;
	v23 =	vld.idx.msk [tilespmem:v1+s17+$0xFFFFFD80 ss:$0x1], $0xffff;
	[tilespmem:v1+s17+$0xFFFFFDF0 ss:$0x1] =	vst.idx.msk $0xffff, v20  }
0x103: {  	v18 =	vmul.f32 v18, v4;
	v20 =	vld.idx.msk [tilespmem:v1+s17+$0xFFFFFE00 ss:$0x1], $0xffff;
	[tilespmem:v1+s17+$0xFFFFFE70 ss:$0x1] =	vst.idx.msk $0xffff, v19  }
0x104: {  	v19 =	vld.idx.msk [tilespmem:v1+s17+$0xFFFFFE80 ss:$0x1], $0xffff;
	[tilespmem:v1+s17+$0xFFFFFEF0 ss:$0x1] =	vst.idx.msk $0xffff, v17  }
0x105: {  	v12 =	vmul.f32 v21, v12;
	v17 =	vld.idx.msk [tilespmem:v1+s17+$0xFFFFFF00 ss:$0x1], $0xffff;
	[tilespmem:v1+s17+$0xFFFFFFF0 ss:$0x1] =	vst.idx.msk $0xffff, v18  }
0x106: {  	v18 =	vmul.f32 v25, v11;
	s17 =	sadd.s32 $0x400, s17;
	v11 =	vmov v3;
	v21 =	vld.idx.msk [tilespmem:v1+s10+$0x0 ss:$0x1], $0xffff  }
0x107: {  	v24 =	vmul.f32 v24, v10;
	v10 =	vmov v9;
	v3 =	vld.idx.msk [tilespmem:v1+s17+$0xFFFFFF10 ss:$0x1], $0xffff;
	[tilespmem:v1+s10+$0xFFFFFF80 ss:$0x1] =	vst.idx.msk $0xffff, v12  }
0x108: {  	v9 =	vmul.f32 v23, v8;
	v8 =	vmov v13;
	v12 =	vld.idx.msk [tilespmem:v22+s29+$0x0], $0xffff;
	[tilespmem:v1+s10+$0xFFFFFC80 ss:$0x1] =	vst.idx.msk $0xffff, v18  }
0x109: {  	v18 =	vmul.f32 v20, v7;
	v7 =	vmov v14;
	v13 =	vld.idx.msk [tilespmem:v1+s17+$0xFFFFFC10 ss:$0x1], $0xffff;
	[tilespmem:v1+s10+$0xFFFFFD00 ss:$0x1] =	vst.idx.msk $0xffff, v24  }
0x10a: {  	s21 =	sadd.s32 $0x7, s20;
	v14 =	vld.idx.msk [tilespmem:v1+s17+$0xFFFFFC90 ss:$0x1], $0xffff;
	[tilespmem:v1+s10+$0xFFFFFD80 ss:$0x1] =	vst.idx.msk $0xffff, v9;
	v9 =	vmul.f32 v19, v6;
	v6 =	vmov v15  }
0x10b: {  	v15 =	vmov s21;
	v17 =	vmul.f32 v17, v5;
	v5 =	vmov v16;
	v19 =	vld.idx.msk [tilespmem:v1+s17+$0xFFFFFD10 ss:$0x1], $0xffff;
	[tilespmem:v1+s10+$0xFFFFFE00 ss:$0x1] =	vst.idx.msk $0xffff, v18  }
0x10c: {  	v16 =	vld.idx.msk [tilespmem:v1+s17+$0xFFFFFD90 ss:$0x1], $0xffff;
	[tilespmem:v1+s10+$0xFFFFFE80 ss:$0x1] =	vst.idx.msk $0xffff, v9;
	v9 =	vmul.f32 v21, v4;
	v4 =	vmov v2  }
0x10d: {  	v18 =	vld.idx.msk [tilespmem:v1+s17+$0xFFFFFE10 ss:$0x1], $0xffff;
	[tilespmem:v1+s10+$0xFFFFFF00 ss:$0x1] =	vst.idx.msk $0xffff, v17  }
0x10e: {  	v3 =	vmul.f32 v3, v12;
	v17 =	vld.idx.msk [tilespmem:v1+s17+$0xFFFFFE90 ss:$0x1], $0xffff;
	[tilespmem:v1+s10+$0x0 ss:$0x1] =	vst.idx.msk $0xffff, v9;
	s10 =	smov.u32 s17  }
0x10f: {  	v9 =	vmul.f32 v13, v11;
	v13 =	vld.idx.msk [tilespmem:v1+s17+$0xFFFFFF90 ss:$0x1], $0xffff  }
0x110: {  	v14 =	vmul.f32 v14, v10;
	v2 =	vld.idx.msk [tilespmem:v15+s29+$0x0], $0xffff;
	[tilespmem:v1+s17+$0xFFFFFF10 ss:$0x1] =	vst.idx.msk $0xffff, v3  }
0x111: {  	v3 =	vmov s20;
	[tilespmem:v1+s17+$0xFFFFFC10 ss:$0x1] =	vst.idx.msk $0xffff, v9;
	v9 =	vmul.f32 v19, v8;
	v15 =	vld.idx.msk [tilespmem:v1+s17+$0xFFFFFF20 ss:$0x1], $0xffff  }
0x112: {  	v3 =	vand.u32 $0xFFFFFFF8, v3;
	v19 =	vld.idx.msk [tilespmem:v1+s17+$0xFFFFFC20 ss:$0x1], $0xffff;
	[tilespmem:v1+s17+$0xFFFFFC90 ss:$0x1] =	vst.idx.msk $0xffff, v14;
	v14 =	vmul.f32 v16, v7  }
0x113: {  	v3 =	vbroadcast v3, $0x0;
	v16 =	vld.idx.msk [tilespmem:v1+s17+$0xFFFFFCA0 ss:$0x1], $0xffff;
	[tilespmem:v1+s17+$0xFFFFFD10 ss:$0x1] =	vst.idx.msk $0xffff, v9;
	v9 =	vmul.f32 v18, v6  }
0x114: {  	v18 =	vld.idx.msk [tilespmem:v1+s17+$0xFFFFFD20 ss:$0x1], $0xffff;
	[tilespmem:v1+s17+$0xFFFFFD90 ss:$0x1] =	vst.idx.msk $0xffff, v14;
	v14 =	vmul.f32 v17, v5  }
0x115: {  	v17 =	vld.idx.msk [tilespmem:v1+s17+$0xFFFFFDA0 ss:$0x1], $0xffff;
	[tilespmem:v1+s17+$0xFFFFFE10 ss:$0x1] =	vst.idx.msk $0xffff, v9;
	v9 =	vmul.f32 v13, v4  }
0x116: {  	v13 =	vld.idx.msk [tilespmem:v1+s17+$0xFFFFFE20 ss:$0x1], $0xffff;
	[tilespmem:v1+s17+$0xFFFFFE90 ss:$0x1] =	vst.idx.msk $0xffff, v14  }
0x117: {  	v15 =	vmul.f32 v15, v12;
	v14 =	vld.idx.msk [tilespmem:v1+s17+$0xFFFFFEA0 ss:$0x1], $0xffff;
	[tilespmem:v1+s17+$0xFFFFFF90 ss:$0x1] =	vst.idx.msk $0xffff, v9  }
0x118: {  	v9 =	vmul.f32 v19, v11;
	v19 =	vld.idx.msk [tilespmem:v1+s17+$0xFFFFFFA0 ss:$0x1], $0xffff  }
0x119: {  	s21 =	sadd.s32 $0x1, s20;
	v16 =	vmul.f32 v16, v10;
	v3 =	vld.idx.msk [tilespmem:v3+s29+$0x0], $0xffff;
	[tilespmem:v1+s17+$0xFFFFFF20 ss:$0x1] =	vst.idx.msk $0xffff, v15  }
0x11a: {  	v15 =	vmov s21;
	[tilespmem:v1+s17+$0xFFFFFC20 ss:$0x1] =	vst.idx.msk $0xffff, v9;
	v9 =	vmul.f32 v18, v8;
	v18 =	vld.idx.msk [tilespmem:v1+s17+$0xFFFFFF30 ss:$0x1], $0xffff  }
0x11b: {  	v15 =	vand.u32 $0xFFFFFFF9, v15;
	v20 =	vld.idx.msk [tilespmem:v1+s17+$0xFFFFFC30 ss:$0x1], $0xffff;
	[tilespmem:v1+s17+$0xFFFFFCA0 ss:$0x1] =	vst.idx.msk $0xffff, v16;
	v16 =	vmul.f32 v17, v7  }
0x11c: {  	v15 =	vbroadcast v15, $0x0;
	v17 =	vld.idx.msk [tilespmem:v1+s17+$0xFFFFFCB0 ss:$0x1], $0xffff;
	[tilespmem:v1+s17+$0xFFFFFD20 ss:$0x1] =	vst.idx.msk $0xffff, v9;
	v9 =	vmul.f32 v13, v6  }
0x11d: {  	v14 =	vmul.f32 v14, v5;
	v13 =	vld.idx.msk [tilespmem:v1+s17+$0xFFFFFD30 ss:$0x1], $0xffff;
	[tilespmem:v1+s17+$0xFFFFFDA0 ss:$0x1] =	vst.idx.msk $0xffff, v16  }
0x11e: {  	v16 =	vld.idx.msk [tilespmem:v1+s17+$0xFFFFFDB0 ss:$0x1], $0xffff;
	[tilespmem:v1+s17+$0xFFFFFE20 ss:$0x1] =	vst.idx.msk $0xffff, v9;
	v9 =	vmul.f32 v19, v4  }
0x11f: {  	v19 =	vld.idx.msk [tilespmem:v1+s17+$0xFFFFFE30 ss:$0x1], $0xffff;
	[tilespmem:v1+s17+$0xFFFFFEA0 ss:$0x1] =	vst.idx.msk $0xffff, v14  }
0x120: {  	v18 =	vmul.f32 v18, v12;
	v14 =	vld.idx.msk [tilespmem:v1+s17+$0xFFFFFEB0 ss:$0x1], $0xffff;
	[tilespmem:v1+s17+$0xFFFFFFA0 ss:$0x1] =	vst.idx.msk $0xffff, v9  }
0x121: {  	v20 =	vmul.f32 v20, v11;
	v21 =	vld.idx.msk [tilespmem:v1+s17+$0xFFFFFFB0 ss:$0x1], $0xffff  }
0x122: {  	s21 =	sadd.s32 $0x2, s20;
	v9 =	vld.idx.msk [tilespmem:v15+s29+$0x0], $0xffff;
	v15 =	vmul.f32 v17, v10;
	[tilespmem:v1+s17+$0xFFFFFF30 ss:$0x1] =	vst.idx.msk $0xffff, v18  }
0x123: {  	v17 =	vmov s21;
	v13 =	vmul.f32 v13, v8;
	[tilespmem:v1+s17+$0xFFFFFC30 ss:$0x1] =	vst.idx.msk $0xffff, v20;
	v18 =	vld.idx.msk [tilespmem:v1+s17+$0xFFFFFF40 ss:$0x1], $0xffff  }
0x124: {  	v17 =	vand.u32 $0xFFFFFFFA, v17;
	v20 =	vld.idx.msk [tilespmem:v1+s17+$0xFFFFFC40 ss:$0x1], $0xffff;
	[tilespmem:v1+s17+$0xFFFFFCB0 ss:$0x1] =	vst.idx.msk $0xffff, v15;
	v15 =	vmul.f32 v16, v7  }
0x125: {  	v16 =	vbroadcast v17, $0x0;
	v17 =	vld.idx.msk [tilespmem:v1+s17+$0xFFFFFCC0 ss:$0x1], $0xffff;
	[tilespmem:v1+s17+$0xFFFFFD30 ss:$0x1] =	vst.idx.msk $0xffff, v13;
	v13 =	vmul.f32 v19, v6  }
0x126: {  	v14 =	vmul.f32 v14, v5;
	v19 =	vld.idx.msk [tilespmem:v1+s17+$0xFFFFFD40 ss:$0x1], $0xffff;
	[tilespmem:v1+s17+$0xFFFFFDB0 ss:$0x1] =	vst.idx.msk $0xffff, v15  }
0x127: {  	v15 =	vld.idx.msk [tilespmem:v1+s17+$0xFFFFFDC0 ss:$0x1], $0xffff;
	[tilespmem:v1+s17+$0xFFFFFE30 ss:$0x1] =	vst.idx.msk $0xffff, v13;
	v13 =	vmul.f32 v21, v4  }
0x128: {  	v21 =	vld.idx.msk [tilespmem:v1+s17+$0xFFFFFE40 ss:$0x1], $0xffff;
	[tilespmem:v1+s17+$0xFFFFFEB0 ss:$0x1] =	vst.idx.msk $0xffff, v14  }
0x129: {  	v18 =	vmul.f32 v18, v12;
	v14 =	vld.idx.msk [tilespmem:v1+s17+$0xFFFFFEC0 ss:$0x1], $0xffff;
	[tilespmem:v1+s17+$0xFFFFFFB0 ss:$0x1] =	vst.idx.msk $0xffff, v13  }
0x12a: {  	v20 =	vmul.f32 v20, v11;
	v22 =	vld.idx.msk [tilespmem:v1+s17+$0xFFFFFFC0 ss:$0x1], $0xffff  }
0x12b: {  	s21 =	sadd.s32 $0x3, s20;
	v13 =	vld.idx.msk [tilespmem:v16+s29+$0x0], $0xffff;
	v16 =	vmul.f32 v17, v10;
	[tilespmem:v1+s17+$0xFFFFFF40 ss:$0x1] =	vst.idx.msk $0xffff, v18  }
0x12c: {  	v17 =	vmov s21;
	v18 =	vmul.f32 v19, v8;
	[tilespmem:v1+s17+$0xFFFFFC40 ss:$0x1] =	vst.idx.msk $0xffff, v20;
	v19 =	vld.idx.msk [tilespmem:v1+s17+$0xFFFFFF50 ss:$0x1], $0xffff  }
0x12d: {  	v17 =	vand.u32 $0xFFFFFFFB, v17;
	v15 =	vmul.f32 v15, v7;
	v20 =	vld.idx.msk [tilespmem:v1+s17+$0xFFFFFC50 ss:$0x1], $0xffff;
	[tilespmem:v1+s17+$0xFFFFFCC0 ss:$0x1] =	vst.idx.msk $0xffff, v16  }
0x12e: {  	v16 =	vbroadcast v17, $0x0;
	v17 =	vld.idx.msk [tilespmem:v1+s17+$0xFFFFFCD0 ss:$0x1], $0xffff;
	[tilespmem:v1+s17+$0xFFFFFD40 ss:$0x1] =	vst.idx.msk $0xffff, v18;
	v18 =	vmul.f32 v21, v6  }
0x12f: {  	v14 =	vmul.f32 v14, v5;
	v21 =	vld.idx.msk [tilespmem:v1+s17+$0xFFFFFD50 ss:$0x1], $0xffff;
	[tilespmem:v1+s17+$0xFFFFFDC0 ss:$0x1] =	vst.idx.msk $0xffff, v15  }
0x130: {  	v15 =	vld.idx.msk [tilespmem:v1+s17+$0xFFFFFDD0 ss:$0x1], $0xffff;
	[tilespmem:v1+s17+$0xFFFFFE40 ss:$0x1] =	vst.idx.msk $0xffff, v18;
	v18 =	vmul.f32 v22, v4  }
0x131: {  	v22 =	vld.idx.msk [tilespmem:v1+s17+$0xFFFFFE50 ss:$0x1], $0xffff;
	[tilespmem:v1+s17+$0xFFFFFEC0 ss:$0x1] =	vst.idx.msk $0xffff, v14  }
0x132: {  	v19 =	vmul.f32 v19, v12;
	v23 =	vld.idx.msk [tilespmem:v1+s17+$0xFFFFFED0 ss:$0x1], $0xffff;
	[tilespmem:v1+s17+$0xFFFFFFC0 ss:$0x1] =	vst.idx.msk $0xffff, v18  }
0x133: {  	v18 =	vmul.f32 v20, v11;
	v20 =	vld.idx.msk [tilespmem:v1+s17+$0xFFFFFFD0 ss:$0x1], $0xffff  }
0x134: {  	s21 =	sadd.s32 $0x4, s20;
	v14 =	vld.idx.msk [tilespmem:v16+s29+$0x0], $0xffff;
	v16 =	vmul.f32 v17, v10;
	[tilespmem:v1+s17+$0xFFFFFF50 ss:$0x1] =	vst.idx.msk $0xffff, v19  }
0x135: {  	v17 =	vmov s21;
	[tilespmem:v1+s17+$0xFFFFFC50 ss:$0x1] =	vst.idx.msk $0xffff, v18;
	v18 =	vmul.f32 v21, v8;
	v19 =	vld.idx.msk [tilespmem:v1+s17+$0xFFFFFF60 ss:$0x1], $0xffff  }
0x136: {  	v17 =	vand.u32 $0xFFFFFFFC, v17;
	v15 =	vmul.f32 v15, v7;
	v21 =	vld.idx.msk [tilespmem:v1+s17+$0xFFFFFC60 ss:$0x1], $0xffff;
	[tilespmem:v1+s17+$0xFFFFFCD0 ss:$0x1] =	vst.idx.msk $0xffff, v16  }
0x137: {  	v16 =	vbroadcast v17, $0x0;
	v17 =	vld.idx.msk [tilespmem:v1+s17+$0xFFFFFCE0 ss:$0x1], $0xffff;
	[tilespmem:v1+s17+$0xFFFFFD50 ss:$0x1] =	vst.idx.msk $0xffff, v18;
	v18 =	vmul.f32 v22, v6  }
0x138: {  	v22 =	vld.idx.msk [tilespmem:v1+s17+$0xFFFFFD60 ss:$0x1], $0xffff;
	[tilespmem:v1+s17+$0xFFFFFDD0 ss:$0x1] =	vst.idx.msk $0xffff, v15;
	v15 =	vmul.f32 v23, v5  }
0x139: {  	v23 =	vld.idx.msk [tilespmem:v1+s17+$0xFFFFFDE0 ss:$0x1], $0xffff;
	[tilespmem:v1+s17+$0xFFFFFE50 ss:$0x1] =	vst.idx.msk $0xffff, v18;
	v18 =	vmul.f32 v20, v4  }
0x13a: {  	v20 =	vld.idx.msk [tilespmem:v1+s17+$0xFFFFFE60 ss:$0x1], $0xffff;
	[tilespmem:v1+s17+$0xFFFFFED0 ss:$0x1] =	vst.idx.msk $0xffff, v15  }
0x13b: {  	v19 =	vmul.f32 v19, v12;
	v24 =	vld.idx.msk [tilespmem:v1+s17+$0xFFFFFEE0 ss:$0x1], $0xffff;
	[tilespmem:v1+s17+$0xFFFFFFD0 ss:$0x1] =	vst.idx.msk $0xffff, v18  }
0x13c: {  	v18 =	vmul.f32 v21, v11;
	v21 =	vld.idx.msk [tilespmem:v1+s17+$0xFFFFFFE0 ss:$0x1], $0xffff  }
0x13d: {  	s21 =	sadd.s32 $0x5, s20;
	v15 =	vld.idx.msk [tilespmem:v16+s29+$0x0], $0xffff;
	v16 =	vmul.f32 v17, v10;
	[tilespmem:v1+s17+$0xFFFFFF60 ss:$0x1] =	vst.idx.msk $0xffff, v19  }
0x13e: {  	v17 =	vmov s21;
	[tilespmem:v1+s17+$0xFFFFFC60 ss:$0x1] =	vst.idx.msk $0xffff, v18;
	v18 =	vmul.f32 v22, v8;
	v22 =	vld.idx.msk [tilespmem:v1+s17+$0xFFFFFF70 ss:$0x1], $0xffff  }
0x13f: {  	v17 =	vand.u32 $0xFFFFFFFD, v17;
	v25 =	vld.idx.msk [tilespmem:v1+s17+$0xFFFFFC70 ss:$0x1], $0xffff;
	[tilespmem:v1+s17+$0xFFFFFCE0 ss:$0x1] =	vst.idx.msk $0xffff, v16;
	v16 =	vmul.f32 v23, v7  }
0x140: {  	v23 =	vbroadcast v17, $0x0;
	v17 =	vmul.f32 v20, v6;
	v26 =	vld.idx.msk [tilespmem:v1+s17+$0xFFFFFCF0 ss:$0x1], $0xffff;
	[tilespmem:v1+s17+$0xFFFFFD60 ss:$0x1] =	vst.idx.msk $0xffff, v18  }
0x141: {  	v27 =	vld.idx.msk [tilespmem:v1+s17+$0xFFFFFD70 ss:$0x1], $0xffff;
	[tilespmem:v1+s17+$0xFFFFFDE0 ss:$0x1] =	vst.idx.msk $0xffff, v16;
	v16 =	vmul.f32 v24, v5  }
0x142: {  	v18 =	vmul.f32 v21, v4;
	v20 =	vld.idx.msk [tilespmem:v1+s17+$0xFFFFFDF0 ss:$0x1], $0xffff;
	[tilespmem:v1+s17+$0xFFFFFE60 ss:$0x1] =	vst.idx.msk $0xffff, v17  }
.Ltmp5:
0x143: {  	v19 =	vld.idx.msk [tilespmem:v1+s17+$0xFFFFFE70 ss:$0x1], $0xffff;
	[tilespmem:v1+s17+$0xFFFFFEE0 ss:$0x1] =	vst.idx.msk $0xffff, v16;
	(pc) =	sbr.rel @p1 .LBB2_5-.Ltmp5, $4  }
0x144: {  	v21 =	vmul.f32 v22, v12;
	v17 =	vld.idx.msk [tilespmem:v1+s17+$0xFFFFFEF0 ss:$0x1], $0xffff;
	[tilespmem:v1+s17+$0xFFFFFFE0 ss:$0x1] =	vst.idx.msk $0xffff, v18  }
0x145: {  	v24 =	vmul.f32 v25, v11;
	v18 =	vld.idx.msk [tilespmem:v1+s17+$0xFFFFFFF0 ss:$0x1], $0xffff  }
0x146: {  	v22 =	vmul.f32 v26, v10;
	v16 =	vld.idx.msk [tilespmem:v23+s29+$0x0], $0xffff;
	[tilespmem:v1+s17+$0xFFFFFF70 ss:$0x1] =	vst.idx.msk $0xffff, v21  }
0x147: {  	s21 =	sadd.s32 $0x6, s20;
	s20 =	sadd.s32 $0x8, s20;
	v23 =	vmul.f32 v27, v8;
	[tilespmem:v1+s17+$0xFFFFFC70 ss:$0x1] =	vst.idx.msk $0xffff, v24;
	v21 =	vld.idx.msk [tilespmem:v1+s17+$0xFFFFFF80 ss:$0x1], $0xffff  }
0x148: {  	_ =	sdelay $0x3  }
0x149: {  	v25 =	vld.idx.msk [tilespmem:v1+s17+$0xFFFFFC80 ss:$0x1], $0xffff;
	[tilespmem:v1+s17+$0xFFFFFCF0 ss:$0x1] =	vst.idx.msk $0xffff, v22  }
0x14a: {  	v24 =	vmov s21;
	v20 =	vmul.f32 v20, v7;
	s21 =	sadd.s32 $0x400, s17;
	v33 =	vld.idx.msk [tilespmem:v1+s17+$0xFFFFFD00 ss:$0x1], $0xffff  }
0x14b: {  	v19 =	vmul.f32 v19, v6;
	[tilespmem:v1+s17+$0xFFFFFD70 ss:$0x1] =	vst.idx.msk $0xffff, v23;
	v34 =	vld.idx.msk [tilespmem:v1+s21+$0xFFFFFF10 ss:$0x1], $0xffff  }
0x14c: {  	v17 =	vmul.f32 v17, v5;
	v35 =	vld.idx.msk [tilespmem:v1+s21+$0xFFFFFC10 ss:$0x1], $0xffff;
	[tilespmem:v1+s17+$0xFFFFFDF0 ss:$0x1] =	vst.idx.msk $0xffff, v20  }
0x14d: {  	v37 =	vld.idx.msk [tilespmem:v1+s21+$0xFFFFFC90 ss:$0x1], $0xffff;
	[tilespmem:v1+s17+$0xFFFFFE70 ss:$0x1] =	vst.idx.msk $0xffff, v19;
	v18 =	vmul.f32 v18, v4  }
0x14e: {  	v39 =	vld.idx.msk [tilespmem:v1+s21+$0xFFFFFD10 ss:$0x1], $0xffff;
	[tilespmem:v1+s17+$0xFFFFFEF0 ss:$0x1] =	vst.idx.msk $0xffff, v17;
	v12 =	vmul.f32 v21, v12  }
0x14f: {  	v43 =	vld.idx.msk [tilespmem:v1+s21+$0xFFFFFE10 ss:$0x1], $0xffff;
	[tilespmem:v1+s17+$0xFFFFFFF0 ss:$0x1] =	vst.idx.msk $0xffff, v18;
	v11 =	vmul.f32 v25, v11  }
0x150: {  	v32 =	vand.u32 $0xFFFFFFFE, v24;
	v45 =	vld.idx.msk [tilespmem:v1+s21+$0xFFFFFE90 ss:$0x1], $0xffff;
	v24 =	vmul.f32 v33, v10;
	[tilespmem:v1+s10+$0xFFFFFF80 ss:$0x1] =	vst.idx.msk $0xffff, v12  }
0x151: {  	v47 =	vld.idx.msk [tilespmem:v1+s21+$0xFFFFFF90 ss:$0x1], $0xffff;
	v46 =	vmul.f32 v35, v3;
	[tilespmem:v1+s10+$0xFFFFFC80 ss:$0x1] =	vst.idx.msk $0xffff, v11  }
0x152: {  	v22 =	vbroadcast v32, $0x0;
	v23 =	vld.idx.msk [tilespmem:v1+s17+$0xFFFFFD80 ss:$0x1], $0xffff;
	v12 =	vmul.f32 v37, v9;
	[tilespmem:v1+s10+$0xFFFFFD00 ss:$0x1] =	vst.idx.msk $0xffff, v24  }
0x153: {  	v20 =	vld.idx.msk [tilespmem:v1+s17+$0xFFFFFE00 ss:$0x1], $0xffff;
	v48 =	vmul.f32 v39, v13;
	[tilespmem:v1+s21+$0xFFFFFC10 ss:$0x1] =	vst.idx.msk $0xffff, v46  }
0x154: {  	v19 =	vld.idx.msk [tilespmem:v1+s17+$0xFFFFFE80 ss:$0x1], $0xffff;
	v50 =	vmul.f32 v43, v15;
	[tilespmem:v1+s21+$0xFFFFFC90 ss:$0x1] =	vst.idx.msk $0xffff, v12  }
0x155: {  	v41 =	vld.idx.msk [tilespmem:v1+s21+$0xFFFFFD90 ss:$0x1], $0xffff;
	v52 =	vmul.f32 v45, v16;
	[tilespmem:v1+s21+$0xFFFFFD10 ss:$0x1] =	vst.idx.msk $0xffff, v48  }
0x156: {  	v17 =	vld.idx.msk [tilespmem:v1+s17+$0xFFFFFF00 ss:$0x1], $0xffff;
	v54 =	vmul.f32 v47, v2;
	[tilespmem:v1+s21+$0xFFFFFE10 ss:$0x1] =	vst.idx.msk $0xffff, v50  }
0x157: {  	v18 =	vld.idx.msk [tilespmem:v1+s10+$0x0 ss:$0x1], $0xffff;
	v8 =	vmul.f32 v23, v8;
	[tilespmem:v1+s21+$0xFFFFFE90 ss:$0x1] =	vst.idx.msk $0xffff, v52  }
0x158: {  	v10 =	vld.idx.msk [tilespmem:v22+s29+$0x0], $0xffff;
	v36 =	vmul.f32 v20, v7;
	[tilespmem:v1+s21+$0xFFFFFF90 ss:$0x1] =	vst.idx.msk $0xffff, v54  }
0x159: {  	v38 =	vmul.f32 v19, v6;
	[tilespmem:v1+s10+$0xFFFFFD80 ss:$0x1] =	vst.idx.msk $0xffff, v8;
	v49 =	vld.idx.msk [tilespmem:v1+s21+$0xFFFFFC20 ss:$0x1], $0xffff  }
0x15a: {  	v7 =	vmul.f32 v41, v14;
	v12 =	vld.idx.msk [tilespmem:v1+s21+$0xFFFFFCA0 ss:$0x1], $0xffff;
	[tilespmem:v1+s10+$0xFFFFFE00 ss:$0x1] =	vst.idx.msk $0xffff, v36  }
0x15b: {  	v40 =	vmul.f32 v17, v5;
	v57 =	vld.idx.msk [tilespmem:v1+s21+$0xFFFFFFA0 ss:$0x1], $0xffff;
	[tilespmem:v1+s10+$0xFFFFFE80 ss:$0x1] =	vst.idx.msk $0xffff, v38  }
0x15c: {  	v42 =	vmul.f32 v18, v4;
	[tilespmem:v1+s21+$0xFFFFFD90 ss:$0x1] =	vst.idx.msk $0xffff, v7;
	v7 =	vld.idx.msk [tilespmem:v1+s21+$0xFFFFFEA0 ss:$0x1], $0xffff  }
0x15d: {  	v51 =	vld.idx.msk [tilespmem:v1+s21+$0xFFFFFD20 ss:$0x1], $0xffff;
	[tilespmem:v1+s10+$0xFFFFFF00 ss:$0x1] =	vst.idx.msk $0xffff, v40;
	v44 =	vmul.f32 v34, v10  }
0x15e: {  	v53 =	vld.idx.msk [tilespmem:v1+s21+$0xFFFFFDA0 ss:$0x1], $0xffff;
	[tilespmem:v1+s10+$0x0 ss:$0x1] =	vst.idx.msk $0xffff, v42;
	v56 =	vmul.f32 v49, v3  }
0x15f: {  	v55 =	vld.idx.msk [tilespmem:v1+s21+$0xFFFFFE20 ss:$0x1], $0xffff;
	v12 =	vmul.f32 v12, v9;
	[tilespmem:v1+s21+$0xFFFFFF10 ss:$0x1] =	vst.idx.msk $0xffff, v44  }
0x160: {  	v19 =	vmul.f32 v57, v2;
	v5 =	vld.idx.msk [tilespmem:v1+s21+$0xFFFFFF20 ss:$0x1], $0xffff;
	[tilespmem:v1+s21+$0xFFFFFC20 ss:$0x1] =	vst.idx.msk $0xffff, v56  }
0x161: {  	v7 =	vmul.f32 v7, v16;
	[tilespmem:v1+s21+$0xFFFFFCA0 ss:$0x1] =	vst.idx.msk $0xffff, v12;
	v59 =	vld.idx.msk [tilespmem:v1+s21+$0xFFFFFC30 ss:$0x1], $0xffff  }
0x162: {  	v58 =	vmul.f32 v51, v13;
	[tilespmem:v1+s21+$0xFFFFFFA0 ss:$0x1] =	vst.idx.msk $0xffff, v19;
	v61 =	vld.idx.msk [tilespmem:v1+s21+$0xFFFFFCB0 ss:$0x1], $0xffff  }
0x163: {  	v60 =	vmul.f32 v53, v14;
	[tilespmem:v1+s21+$0xFFFFFEA0 ss:$0x1] =	vst.idx.msk $0xffff, v7;
	v22 =	vld.idx.msk [tilespmem:v1+s21+$0xFFFFFFB0 ss:$0x1], $0xffff  }
0x164: {  	v62 =	vmul.f32 v55, v15;
	[tilespmem:v1+s21+$0xFFFFFD20 ss:$0x1] =	vst.idx.msk $0xffff, v58;
	v7 =	vld.idx.msk [tilespmem:v1+s21+$0xFFFFFEB0 ss:$0x1], $0xffff  }
0x165: {  	v63 =	vld.idx.msk [tilespmem:v1+s21+$0xFFFFFD30 ss:$0x1], $0xffff;
	[tilespmem:v1+s21+$0xFFFFFDA0 ss:$0x1] =	vst.idx.msk $0xffff, v60;
	v5 =	vmul.f32 v5, v10  }
0x166: {  	[tilespmem:v1+s21+$0xFFFFFE20 ss:$0x1] =	vst.idx.msk $0xffff, v62;
	v12 =	vld.idx.msk [tilespmem:v1+s21+$0xFFFFFDB0 ss:$0x1], $0xffff;
	v21 =	vmul.f32 v59, v3  }
0x167: {  	v20 =	vld.idx.msk [tilespmem:v1+s21+$0xFFFFFE30 ss:$0x1], $0xffff;
	v17 =	vmul.f32 v61, v9;
	[tilespmem:v1+s21+$0xFFFFFF20 ss:$0x1] =	vst.idx.msk $0xffff, v5  }
0x168: {  	v27 =	vmul.f32 v22, v2;
	v5 =	vld.idx.msk [tilespmem:v1+s21+$0xFFFFFF30 ss:$0x1], $0xffff;
	[tilespmem:v1+s21+$0xFFFFFC30 ss:$0x1] =	vst.idx.msk $0xffff, v21  }
0x169: {  	v7 =	vmul.f32 v7, v16;
	[tilespmem:v1+s21+$0xFFFFFCB0 ss:$0x1] =	vst.idx.msk $0xffff, v17;
	v24 =	vld.idx.msk [tilespmem:v1+s21+$0xFFFFFC40 ss:$0x1], $0xffff  }
0x16a: {  	v23 =	vmul.f32 v63, v13;
	[tilespmem:v1+s21+$0xFFFFFFB0 ss:$0x1] =	vst.idx.msk $0xffff, v27;
	v17 =	vld.idx.msk [tilespmem:v1+s21+$0xFFFFFCC0 ss:$0x1], $0xffff  }
0x16b: {  	v12 =	vmul.f32 v12, v14;
	[tilespmem:v1+s21+$0xFFFFFEB0 ss:$0x1] =	vst.idx.msk $0xffff, v7;
	v30 =	vld.idx.msk [tilespmem:v1+s21+$0xFFFFFFC0 ss:$0x1], $0xffff  }
0x16c: {  	v25 =	vmul.f32 v20, v15;
	[tilespmem:v1+s21+$0xFFFFFD30 ss:$0x1] =	vst.idx.msk $0xffff, v23;
	v7 =	vld.idx.msk [tilespmem:v1+s21+$0xFFFFFEC0 ss:$0x1], $0xffff  }
0x16d: {  	v26 =	vld.idx.msk [tilespmem:v1+s21+$0xFFFFFD40 ss:$0x1], $0xffff;
	[tilespmem:v1+s21+$0xFFFFFDB0 ss:$0x1] =	vst.idx.msk $0xffff, v12;
	v5 =	vmul.f32 v5, v10  }
0x16e: {  	[tilespmem:v1+s21+$0xFFFFFE30 ss:$0x1] =	vst.idx.msk $0xffff, v25;
	v12 =	vld.idx.msk [tilespmem:v1+s21+$0xFFFFFDC0 ss:$0x1], $0xffff;
	v29 =	vmul.f32 v24, v3  }
0x16f: {  	v28 =	vld.idx.msk [tilespmem:v1+s21+$0xFFFFFE40 ss:$0x1], $0xffff;
	v17 =	vmul.f32 v17, v9;
	[tilespmem:v1+s21+$0xFFFFFF30 ss:$0x1] =	vst.idx.msk $0xffff, v5  }
0x170: {  	v35 =	vmul.f32 v30, v2;
	v5 =	vld.idx.msk [tilespmem:v1+s21+$0xFFFFFF40 ss:$0x1], $0xffff;
	[tilespmem:v1+s21+$0xFFFFFC40 ss:$0x1] =	vst.idx.msk $0xffff, v29  }
0x171: {  	v7 =	vmul.f32 v7, v16;
	[tilespmem:v1+s21+$0xFFFFFCC0 ss:$0x1] =	vst.idx.msk $0xffff, v17;
	v32 =	vld.idx.msk [tilespmem:v1+s21+$0xFFFFFC50 ss:$0x1], $0xffff  }
0x172: {  	v31 =	vmul.f32 v26, v13;
	[tilespmem:v1+s21+$0xFFFFFFC0 ss:$0x1] =	vst.idx.msk $0xffff, v35;
	v17 =	vld.idx.msk [tilespmem:v1+s21+$0xFFFFFCD0 ss:$0x1], $0xffff  }
0x173: {  	v12 =	vmul.f32 v12, v14;
	[tilespmem:v1+s21+$0xFFFFFEC0 ss:$0x1] =	vst.idx.msk $0xffff, v7;
	v38 =	vld.idx.msk [tilespmem:v1+s21+$0xFFFFFFD0 ss:$0x1], $0xffff  }
0x174: {  	v33 =	vmul.f32 v28, v15;
	[tilespmem:v1+s21+$0xFFFFFD40 ss:$0x1] =	vst.idx.msk $0xffff, v31;
	v7 =	vld.idx.msk [tilespmem:v1+s21+$0xFFFFFED0 ss:$0x1], $0xffff  }
0x175: {  	v34 =	vld.idx.msk [tilespmem:v1+s21+$0xFFFFFD50 ss:$0x1], $0xffff;
	[tilespmem:v1+s21+$0xFFFFFDC0 ss:$0x1] =	vst.idx.msk $0xffff, v12;
	v5 =	vmul.f32 v5, v10  }
0x176: {  	[tilespmem:v1+s21+$0xFFFFFE40 ss:$0x1] =	vst.idx.msk $0xffff, v33;
	v12 =	vld.idx.msk [tilespmem:v1+s21+$0xFFFFFDD0 ss:$0x1], $0xffff;
	v37 =	vmul.f32 v32, v3  }
0x177: {  	v36 =	vld.idx.msk [tilespmem:v1+s21+$0xFFFFFE50 ss:$0x1], $0xffff;
	v17 =	vmul.f32 v17, v9;
	[tilespmem:v1+s21+$0xFFFFFF40 ss:$0x1] =	vst.idx.msk $0xffff, v5  }
0x178: {  	v43 =	vmul.f32 v38, v2;
	v5 =	vld.idx.msk [tilespmem:v1+s21+$0xFFFFFF50 ss:$0x1], $0xffff;
	[tilespmem:v1+s21+$0xFFFFFC50 ss:$0x1] =	vst.idx.msk $0xffff, v37  }
0x179: {  	v7 =	vmul.f32 v7, v16;
	[tilespmem:v1+s21+$0xFFFFFCD0 ss:$0x1] =	vst.idx.msk $0xffff, v17;
	v40 =	vld.idx.msk [tilespmem:v1+s21+$0xFFFFFC60 ss:$0x1], $0xffff  }
0x17a: {  	v39 =	vmul.f32 v34, v13;
	[tilespmem:v1+s21+$0xFFFFFFD0 ss:$0x1] =	vst.idx.msk $0xffff, v43;
	v17 =	vld.idx.msk [tilespmem:v1+s21+$0xFFFFFCE0 ss:$0x1], $0xffff  }
0x17b: {  	v12 =	vmul.f32 v12, v14;
	[tilespmem:v1+s21+$0xFFFFFED0 ss:$0x1] =	vst.idx.msk $0xffff, v7;
	v46 =	vld.idx.msk [tilespmem:v1+s21+$0xFFFFFFE0 ss:$0x1], $0xffff  }
0x17c: {  	v41 =	vmul.f32 v36, v15;
	[tilespmem:v1+s21+$0xFFFFFD50 ss:$0x1] =	vst.idx.msk $0xffff, v39;
	v7 =	vld.idx.msk [tilespmem:v1+s21+$0xFFFFFEE0 ss:$0x1], $0xffff  }
0x17d: {  	v42 =	vld.idx.msk [tilespmem:v1+s21+$0xFFFFFD60 ss:$0x1], $0xffff;
	[tilespmem:v1+s21+$0xFFFFFDD0 ss:$0x1] =	vst.idx.msk $0xffff, v12;
	v5 =	vmul.f32 v5, v10  }
0x17e: {  	[tilespmem:v1+s21+$0xFFFFFE50 ss:$0x1] =	vst.idx.msk $0xffff, v41;
	v12 =	vld.idx.msk [tilespmem:v1+s21+$0xFFFFFDE0 ss:$0x1], $0xffff;
	v45 =	vmul.f32 v40, v3  }
0x17f: {  	v44 =	vld.idx.msk [tilespmem:v1+s21+$0xFFFFFE60 ss:$0x1], $0xffff;
	v17 =	vmul.f32 v17, v9;
	[tilespmem:v1+s21+$0xFFFFFF50 ss:$0x1] =	vst.idx.msk $0xffff, v5  }
0x180: {  	v51 =	vmul.f32 v46, v2;
	v5 =	vld.idx.msk [tilespmem:v1+s21+$0xFFFFFF60 ss:$0x1], $0xffff;
	[tilespmem:v1+s21+$0xFFFFFC60 ss:$0x1] =	vst.idx.msk $0xffff, v45  }
0x181: {  	v7 =	vmul.f32 v7, v16;
	[tilespmem:v1+s21+$0xFFFFFCE0 ss:$0x1] =	vst.idx.msk $0xffff, v17;
	v48 =	vld.idx.msk [tilespmem:v1+s21+$0xFFFFFC70 ss:$0x1], $0xffff  }
0x182: {  	v47 =	vmul.f32 v42, v13;
	[tilespmem:v1+s21+$0xFFFFFFE0 ss:$0x1] =	vst.idx.msk $0xffff, v51;
	v17 =	vld.idx.msk [tilespmem:v1+s21+$0xFFFFFCF0 ss:$0x1], $0xffff  }
0x183: {  	v12 =	vmul.f32 v12, v14;
	[tilespmem:v1+s21+$0xFFFFFEE0 ss:$0x1] =	vst.idx.msk $0xffff, v7;
	v54 =	vld.idx.msk [tilespmem:v1+s21+$0xFFFFFFF0 ss:$0x1], $0xffff  }
0x184: {  	v49 =	vmul.f32 v44, v15;
	[tilespmem:v1+s21+$0xFFFFFD60 ss:$0x1] =	vst.idx.msk $0xffff, v47;
	v7 =	vld.idx.msk [tilespmem:v1+s21+$0xFFFFFEF0 ss:$0x1], $0xffff  }
0x185: {  	v50 =	vld.idx.msk [tilespmem:v1+s21+$0xFFFFFD70 ss:$0x1], $0xffff;
	[tilespmem:v1+s21+$0xFFFFFDE0 ss:$0x1] =	vst.idx.msk $0xffff, v12;
	v5 =	vmul.f32 v5, v10  }
0x186: {  	[tilespmem:v1+s21+$0xFFFFFE60 ss:$0x1] =	vst.idx.msk $0xffff, v49;
	v12 =	vld.idx.msk [tilespmem:v1+s21+$0xFFFFFDF0 ss:$0x1], $0xffff;
	v53 =	vmul.f32 v48, v3  }
0x187: {  	v52 =	vld.idx.msk [tilespmem:v1+s21+$0xFFFFFE70 ss:$0x1], $0xffff;
	v17 =	vmul.f32 v17, v9;
	[tilespmem:v1+s21+$0xFFFFFF60 ss:$0x1] =	vst.idx.msk $0xffff, v5  }
0x188: {  	v59 =	vmul.f32 v54, v2;
	v5 =	vld.idx.msk [tilespmem:v1+s21+$0xFFFFFF70 ss:$0x1], $0xffff;
	[tilespmem:v1+s21+$0xFFFFFC70 ss:$0x1] =	vst.idx.msk $0xffff, v53  }
0x189: {  	v7 =	vmul.f32 v7, v16;
	[tilespmem:v1+s21+$0xFFFFFCF0 ss:$0x1] =	vst.idx.msk $0xffff, v17;
	v56 =	vld.idx.msk [tilespmem:v1+s21+$0xFFFFFC80 ss:$0x1], $0xffff  }
0x18a: {  	v55 =	vmul.f32 v50, v13;
	[tilespmem:v1+s21+$0xFFFFFFF0 ss:$0x1] =	vst.idx.msk $0xffff, v59;
	v17 =	vld.idx.msk [tilespmem:v1+s21+$0xFFFFFD00 ss:$0x1], $0xffff  }
0x18b: {  	v12 =	vmul.f32 v12, v14;
	[tilespmem:v1+s21+$0xFFFFFEF0 ss:$0x1] =	vst.idx.msk $0xffff, v7;
	v4 =	vld.idx.msk [tilespmem:v1+s21+$0x0 ss:$0x1], $0xffff  }
0x18c: {  	v57 =	vmul.f32 v52, v15;
	[tilespmem:v1+s21+$0xFFFFFD70 ss:$0x1] =	vst.idx.msk $0xffff, v55;
	v7 =	vld.idx.msk [tilespmem:v1+s21+$0xFFFFFF00 ss:$0x1], $0xffff  }
0x18d: {  	v58 =	vld.idx.msk [tilespmem:v1+s21+$0xFFFFFD80 ss:$0x1], $0xffff;
	[tilespmem:v1+s21+$0xFFFFFDF0 ss:$0x1] =	vst.idx.msk $0xffff, v12;
	v5 =	vmul.f32 v5, v10  }
0x18e: {  	[tilespmem:v1+s21+$0xFFFFFE70 ss:$0x1] =	vst.idx.msk $0xffff, v57;
	v12 =	vld.idx.msk [tilespmem:v1+s21+$0xFFFFFE00 ss:$0x1], $0xffff;
	v3 =	vmul.f32 v56, v3  }
0x18f: {  	v60 =	vld.idx.msk [tilespmem:v1+s21+$0xFFFFFE80 ss:$0x1], $0xffff;
	v61 =	vmul.f32 v17, v9;
	[tilespmem:v1+s21+$0xFFFFFF70 ss:$0x1] =	vst.idx.msk $0xffff, v5  }
0x190: {  	v2 =	vmul.f32 v4, v2;
	v5 =	vld.idx.msk [tilespmem:v1+s21+$0xFFFFFF80 ss:$0x1], $0xffff;
	[tilespmem:v1+s21+$0xFFFFFC80 ss:$0x1] =	vst.idx.msk $0xffff, v3  }
0x191: {  	v63 =	vmul.f32 v7, v16;
	[tilespmem:v1+s21+$0xFFFFFD00 ss:$0x1] =	vst.idx.msk $0xffff, v61  }
0x192: {  	p1 =	sne.s32 s11, $0x0;
	v3 =	vmul.f32 v58, v13;
	[tilespmem:v1+s21+$0x0 ss:$0x1] =	vst.idx.msk $0xffff, v2  }
.Ltmp6:
0x193: {  	v62 =	vmul.f32 v12, v14;
	[tilespmem:v1+s21+$0xFFFFFF00 ss:$0x1] =	vst.idx.msk $0xffff, v63;
	(pc) =	sbr.rel @p1 .LBB2_8-.Ltmp6, $4  }
0x194: {  	[tilespmem:v1+s21+$0xFFFFFD80 ss:$0x1] =	vst.idx.msk $0xffff, v3;
	v3 =	vmul.f32 v60, v15  }
0x195: {  	[tilespmem:v1+s21+$0xFFFFFE00 ss:$0x1] =	vst.idx.msk $0xffff, v62;
	v5 =	vmul.f32 v5, v10  }
0x196: {  	[tilespmem:v1+s21+$0xFFFFFE80 ss:$0x1] =	vst.idx.msk $0xffff, v3  }
0x197: {  	s10 =	sadd.s32 $0x800, s15;
	[tilespmem:v1+s21+$0xFFFFFF80 ss:$0x1] =	vst.idx.msk $0xffff, v5  }
.Ltmp7:
0x198: {  	(pc) =	sbr.rel .LBB2_9-.Ltmp7, $2  }
0x199: {  	_ =	sdelay $0x2  }
0x19a: {  	[spmem:s3] =	stream.indirect.scatter.add.f32 [tilespmem:s16], [sflag:$0x2], $0x80, s10, s30, $0xb8;
	[tilespmem:$0x1CB00] =	vst v63  }
.LBB2_11:
0x19b: {  	_ =	sfence.sel $0x180000  }
0x19c: {  	[bflag:$0x0] =	sbarrier.arrive $0xFFFF  }
0x19d: {  	_ =	strace $0x90000047  }
0x19e: {  	s0 =	stileid.u32;
	[bflag:$0x2] =	sbarrier.arrive $0xFFFF  }
0x19f: {  	p0 =	sne.s32 s0, $0x0;
	s0 =	rddreg [dreg:$0x4]  }
0x1a0: {  	s0 =	sadd.s32 @!p0 $0x100000, s0  }
0x1a1: {  	[sflag:s0] =	ssyncadd.tile.s32 @!p0 $0x1;
	_ =	shalt  }
.Lfunc_end2:
_tile_overlayer_lowered:
.L_overlay_start_2:
0x1a2: {  	(tag) =	ssettag $0x2  }
0x1a3: {  	s0 =	rddreg [dreg:$0x0];
	s2 =	stileid.u32  }
0x1a4: {  	s1 =	rddreg [dreg:$0x1];
	p0 =	sne.s32 s2, $0x0  }
0x1a5: {  	s3 =	rddreg [dreg:$0x2];
	[bflag:$0x3] =	sbarrier.arrive $0xFFFF;
	s2 =	simm.s32 @!p0 $0x1C04  }
0x1a6: {  	[timem:s3], [sflag:s2] =	dma.local @!p0 [hbm:s0], s1  }
0x1a7: {  	s0 =	simm.s32 @!p0 $0x4  }
0x1a8: {  	_ =	swait.ge @!p0 [sflag:s0], s1  }
0x1a9: {  	s1 =	ssub.s32 @!p0 $0x0, s1;
	[sflag:s0] =	ssyncset.done @!p0 $0x0  }
0x1aa: {  	[sflag:s0] =	ssyncadd.s32 @!p0 s1  }
0x1ab: {  	[bflag:$0x3] =	sbarrier.arrive $0xFFFF  }
0x1ac: {  	_ =	shalt  }

</sc_bundles>
